<compile_context>
chip_gen: v7x
topology: tpu7x:2x2x1
jax: 0.10.2.dev20260603
libtpu: 0.0.44.dev20260713+nightly
codegen_flags: <defaults>
</compile_context>

<pallas_src>
import functools

import jax
import jax.numpy as jnp
from jax import lax
from jax.experimental import pallas as pl
from jax.experimental.pallas import tpu as pltpu
from jax.experimental.pallas import tpu_sc as plsc

_TB = 512


def _ce_kernel(s_ref, x_ref, out_ref, len_ref):
    t = pl.program_id(1)
    tb = x_ref.shape[1]
    v = x_ref.shape[2]

    @pl.when(t == 0)
    def _():
        srow = s_ref[0, 0]
        len_ref[0] = jnp.sum((srow != 0).astype(jnp.int32))

    length = len_ref[0]
    x = x_ref[0]
    tgt = s_ref[0, 0, pl.ds(t * tb, tb)]

    m = jnp.max(x, axis=1, keepdims=True)
    lse = jnp.log(jnp.sum(jnp.exp(x), axis=1, keepdims=True))

    lane = jax.lax.broadcasted_iota(jnp.int32, (tb, v), 1).astype(jnp.float32)
    tgtf = tgt[:, None].astype(jnp.float32)
    amax = jnp.min(jnp.where(x == m, lane, float(v)), axis=1, keepdims=True)

    rows = jax.lax.broadcasted_iota(jnp.int32, (tb, 1), 0) + t * tb
    pmask = (rows < length).astype(jnp.float32)

    loss_part = jnp.sum(lse * pmask)
    corr_part = jnp.sum((amax == tgtf).astype(jnp.float32) * pmask)
    nvalid = jnp.sum(pmask)

    olane = jax.lax.broadcasted_iota(jnp.int32, (128,), 0)
    vec = jnp.where(
        olane == 0, loss_part, jnp.where(olane == 1, corr_part,
                                         jnp.where(olane == 2, nvalid, 0.0)))

    @pl.when(t == 0)
    def _():
        out_ref[0, 0, :] = jnp.zeros((128,), jnp.float32)

    out_ref[0, 0, :] += vec


def _make_sc_gather(B, T, V):
    info = plsc.get_sparse_core_info()
    NC, NS, L = info.num_cores, info.num_subcores, info.num_lanes
    NW = NC * NS
    per_w = (B * T) // NW
    n_dma = per_w // 128
    cpr = T // per_w

    scratch = [pltpu.VMEM((T,), jnp.int32)]
    scratch += [pltpu.VMEM((128,), jnp.int32) for _ in range(n_dma)]
    scratch += [pltpu.VMEM((128,), jnp.float32) for _ in range(n_dma)]
    scratch += [pltpu.VMEM((16,), jnp.float32), pltpu.SemaphoreType.DMA]

    mesh = plsc.VectorSubcoreMesh(core_axis_name="c", subcore_axis_name="s")

    @functools.partial(
        pl.kernel, mesh=mesh,
        out_type=jax.ShapeDtypeStruct((NW, 16), jnp.float32),
        scratch_types=scratch,
    )
    def sc_gather(x_hbm, s_hbm, out_hbm, *refs):
        srow_v = refs[0]
        idx_refs = refs[1:1 + n_dma]
        val_refs = refs[1 + n_dma:1 + 2 * n_dma]
        acc_v, sem = refs[1 + 2 * n_dma], refs[2 + 2 * n_dma]

        wid = lax.axis_index("s") * NC + lax.axis_index("c")
        b = wid // cpr
        chunk = wid % cpr
        tok_base = b * T + chunk * per_w
        iota16 = lax.broadcasted_iota(jnp.int32, (L,), 0)

        pltpu.sync_copy(s_hbm.at[pl.ds(b * T, T)], srow_v)

        def len_body(i, cnt):
            tg = srow_v[pl.ds(i * L, L)]
            return cnt + jnp.where(tg != 0, 1, 0)

        cnt = lax.fori_loop(0, T // L, len_body, jnp.zeros((L,), jnp.int32))
        dn = lax.GatherDimensionNumbers(
            offset_dims=(), collapsed_slice_dims=(0,), start_index_map=(0,))
        for sh in (8, 4, 2, 1):
            perm = (iota16 + sh) & (L - 1)
            cnt = cnt + lax.gather(
                cnt, perm[:, None], dn, slice_sizes=(1,),
                mode=lax.GatherScatterMode.PROMISE_IN_BOUNDS)

        for j in range(n_dma):
            for k in range(128 // L):
                i = j * (128 // L) + k
                tg = srow_v[pl.ds(chunk * per_w + i * L, L)]
                flat = (tok_base + i * L + iota16) * V + tg
                idx_refs[j][pl.ds(k * L, L)] = flat

        copies = [
            pltpu.async_copy(x_hbm.at[idx_refs[j]], val_refs[j], sem)
            for j in range(n_dma)
        ]
        for c in copies:
            c.wait()

        acc = jnp.zeros((L,), jnp.float32)
        for j in range(n_dma):
            for k in range(128 // L):
                i = j * (128 // L) + k
                vals = val_refs[j][pl.ds(k * L, L)]
                pos = chunk * per_w + i * L + iota16
                acc = acc + jnp.where(pos < cnt, vals, 0.0)

        acc_v[...] = acc
        pltpu.sync_copy(acc_v, out_hbm.at[wid])

    return sc_gather, NW, cpr


def kernel(input_s, output_s, input_r, output_r, label):
    B, T = input_s.shape
    V = output_r.shape[-1]
    nt = T // _TB

    sc_gather, NW, cpr = _make_sc_gather(B, T, V)
    tgt_parts = sc_gather(output_r.reshape(B * T * V), input_s.reshape(B * T))

    out = pl.pallas_call(
        _ce_kernel,
        grid=(B, nt),
        in_specs=[
            pl.BlockSpec((1, 1, T), lambda b, t: (b, 0, 0)),
            pl.BlockSpec((1, _TB, V), lambda b, t: (b, t, 0)),
        ],
        out_specs=pl.BlockSpec((1, 1, 128), lambda b, t: (b, 0, 0)),
        out_shape=jax.ShapeDtypeStruct((B, 1, 128), jnp.float32),
        scratch_shapes=[pltpu.SMEM((1,), jnp.int32)],
    )(input_s.reshape(B, 1, T), output_r)

    tgt_sum = jnp.sum(tgt_parts.reshape(B, cpr * 16), axis=1)
    loss = out[:, 0, 0] - tgt_sum
    acc = jnp.sum(out[:, 0, 1]) / jnp.sum(out[:, 0, 2])
    return (loss, acc)

# --- scband reference (transcript-rebuilt; emitter-appended) ---
"""Pipeline reference for scband-loss-rs-67095979098396 (READ-ONLY COPY).

The authoritative reference and input builder live on the scoring server;
editing this copy changes nothing except your own understanding.
"""

import jax, jax.numpy as jnp
import numpy as np

B, T, V = 8, 2048, 4096

def setup_inputs(seed: int = 0) -> dict:
    key = jax.random.key(seed)
    k1, k2 = jax.random.split(key, 2)
    input_s = jax.random.randint(k1, (B, T), 0, V)  # token ids (targets)
    output_s = jnp.zeros((1,), jnp.float32)         # unused Optional arg
    input_r = jnp.zeros((1,), jnp.float32)          # unused Optional arg
    output_r = jax.random.normal(k2, (B, T, V), dtype=jnp.float32)  # logits
    label = jnp.zeros((1,), jnp.int32)              # unused Optional arg
    return {"input_s": input_s, "output_s": output_s, "input_r": input_r, "output_r": output_r, "label": label}


def reference(input_s, output_s, input_r, output_r, label):
    # get_length: number of non-pad (non-zero) tokens per row, as in the torch code's
    # pack_padded_sequence usage: only the first `length` positions of each row count.
    length = jnp.sum(input_s != 0, axis=1)                      # [B]
    pos = jnp.arange(input_s.shape[1])[None, :]                 # [1, T]
    mask = (pos < length[:, None]).astype(jnp.float32)          # [B, T]

    # cross_entropy(output.data, target.data, reduction='none') over packed tokens
    logp = jax.nn.log_softmax(output_r, axis=-1)                # [B, T, V]
    tgt_logp = jnp.take_along_axis(logp, input_s[..., None], axis=-1)[..., 0]  # [B, T]
    ce = -tgt_logp * mask                                       # per-token loss, padded positions zeroed

    # pad_packed_sequence(...).sum(dim=1): per-sequence summed loss
    loss = ce.sum(axis=1)                                       # [B]

    # acc = mean over packed (valid) tokens of (target == argmax(logits))
    pred = jnp.argmax(output_r, axis=-1)                        # [B, T]
    correct = (pred == input_s).astype(jnp.float32) * mask
    acc = correct.sum() / mask.sum()

    return (loss, acc)

if __name__ == "__main__":
    import jax
    _d = setup_inputs()
    print(jax.jit(kernel)(*tuple(_d.values())))

</pallas_src>

<mosaic_0001>
#map = affine_map<(d0, d1) -> (0)>
#map1 = affine_map<(d0, d1) -> (0, 0)>
module attributes {stable_mosaic.version = 14 : i64} {
  func.func @sc_gather(%arg0: i32, %arg1: i32, %arg2: memref<67108864xf32, #tpu.memory_space<hbm>>, %arg3: memref<16384xi32, #tpu.memory_space<hbm>>, %arg4: memref<32x16xf32, #tpu.memory_space<hbm>>, %arg5: memref<2048xi32, #tpu.memory_space<vmem>>, %arg6: memref<128xi32, #tpu.memory_space<vmem>>, %arg7: memref<128xi32, #tpu.memory_space<vmem>>, %arg8: memref<128xi32, #tpu.memory_space<vmem>>, %arg9: memref<128xi32, #tpu.memory_space<vmem>>, %arg10: memref<128xf32, #tpu.memory_space<vmem>>, %arg11: memref<128xf32, #tpu.memory_space<vmem>>, %arg12: memref<128xf32, #tpu.memory_space<vmem>>, %arg13: memref<128xf32, #tpu.memory_space<vmem>>, %arg14: memref<16xf32, #tpu.memory_space<vmem>>, %arg15: memref<!tpu.dma_semaphore, #tpu.memory_space<semaphore_mem>>) attributes {dimension_semantics = [#tpu.dimension_semantics<core_parallel>, #tpu.dimension_semantics<subcore_parallel>], iteration_bounds = array<i64: 2, 16>, scalar_prefetch = 0 : i64, scratch_operands = 11 : i64, tpu.core_type = #tpu.core_type<sc_vector_subcore>, window_params = [{transform_indices = #map}, {transform_indices = #map}, {transform_indices = #map1}]} {
    %mul3A = arith.constant 2 : i32
    %mul3A_0 = arith.muli %arg1, %mul3A : i32
    %add3A = arith.addi %mul3A_0, %arg0 : i32
    %jit3A = arith.constant 4 : i32
    %div3A = arith.divsi %add3A, %jit3A : i32
    %sign3A = arith.constant 0 : i32
    %sign3A_1 = arith.cmpi sgt, %add3A, %sign3A : i32
    %sign3A_2 = arith.extui %sign3A_1 : i1 to i32
    %sign3A_3 = arith.constant 0 : i32
    %sign3A_4 = arith.cmpi slt, %add3A, %sign3A_3 : i32
    %sign3A_5 = arith.extui %sign3A_4 : i1 to i32
    %sign3A_6 = arith.subi %sign3A_2, %sign3A_5 : i32
    %sign3A_7 = arith.constant 0 : i32
    %sign3A_8 = arith.cmpi sgt, %jit3A, %sign3A_7 : i32
    %sign3A_9 = arith.extui %sign3A_8 : i1 to i32
    %sign3A_10 = arith.constant 0 : i32
    %sign3A_11 = arith.cmpi slt, %jit3A, %sign3A_10 : i32
    %sign3A_12 = arith.extui %sign3A_11 : i1 to i32
    %sign3A_13 = arith.subi %sign3A_9, %sign3A_12 : i32
    %ne3A = arith.cmpi ne, %sign3A_6, %sign3A_13 : i32
    %rem3A = arith.remsi %add3A, %jit3A : i32
    %ne3A_14 = arith.constant 0 : i32
    %ne3A_15 = arith.cmpi ne, %rem3A, %ne3A_14 : i32
    %and3A = arith.andi %ne3A, %ne3A_15 : i1
    %sub3A = arith.constant 1 : i32
    %sub3A_16 = arith.subi %div3A, %sub3A : i32
    %select_n3A = arith.select %and3A, %sub3A_16, %div3A : i32
    %jit3A_17 = arith.constant 4 : i32
    %eq3A = arith.constant 0 : i32
    %eq3A_18 = arith.cmpi eq, %jit3A_17, %eq3A : i32
    %jit3A_19 = arith.constant 1 : i32
    %select_n3A_20 = arith.select %eq3A_18, %jit3A_19, %jit3A_17 : i32
    %rem3A_21 = arith.remsi %add3A, %select_n3A_20 : i32
    %ne3A_22 = arith.constant 0 : i32
    %ne3A_23 = arith.cmpi ne, %rem3A_21, %ne3A_22 : i32
    %lt3A = arith.constant 0 : i32
    %lt3A_24 = arith.cmpi slt, %rem3A_21, %lt3A : i32
    %lt3A_25 = arith.constant 0 : i32
    %lt3A_26 = arith.cmpi slt, %select_n3A_20, %lt3A_25 : i32
    %ne3A_27 = arith.xori %lt3A_24, %lt3A_26 : i1
    %and3A_28 = arith.andi %ne3A_27, %ne3A_23 : i1
    %add3A_29 = arith.addi %rem3A_21, %select_n3A_20 : i32
    %select_n3A_30 = arith.select %and3A_28, %add3A_29, %rem3A_21 : i32
    %mul3A_31 = arith.constant 2048 : i32
    %mul3A_32 = arith.muli %select_n3A, %mul3A_31 : i32
    %mul3A_33 = arith.constant 512 : i32
    %mul3A_34 = arith.muli %select_n3A_30, %mul3A_33 : i32
    %add3A_35 = arith.addi %mul3A_32, %mul3A_34 : i32
    %iota3A = tpu.iota {dimensions = array<i32: 0>} : vector<16xi32>
    %mul3A_36 = arith.constant 2048 : i32
    %mul3A_37 = arith.muli %select_n3A, %mul3A_36 : i32
    "tpu.region"() ({
      %run_scoped3A = tpu.sem_alloc : memref<!tpu.dma_semaphore, #tpu.memory_space<semaphore_mem>>
      %dma_start3A_1157 = tpu.memref_slice %arg3[%mul3A_37] : memref<16384xi32, #tpu.memory_space<hbm>> -> memref<2048xi32, #tpu.memory_space<hbm>>
      %dma_start3A_1158 = tpu.memref_slice %arg3[%mul3A_37] : memref<16384xi32, #tpu.memory_space<hbm>> -> memref<2048xi32, #tpu.memory_space<hbm>>
      tpu.enqueue_dma source(%dma_start3A_1158 : memref<2048xi32, #tpu.memory_space<hbm>>) target(%arg5 : memref<2048xi32, #tpu.memory_space<vmem>>) target_semaphore(%run_scoped3A : memref<!tpu.dma_semaphore, #tpu.memory_space<semaphore_mem>>)
      %dma_wait3A_1159 = tpu.memref_slice %arg3[%mul3A_37] : memref<16384xi32, #tpu.memory_space<hbm>> -> memref<2048xi32, #tpu.memory_space<hbm>>
      %dma_wait3A_1160 = tpu.memref_slice %arg3[%mul3A_37] : memref<16384xi32, #tpu.memory_space<hbm>> -> memref<2048xi32, #tpu.memory_space<hbm>>
      tpu.wait_dma2 semaphore(%run_scoped3A : memref<!tpu.dma_semaphore, #tpu.memory_space<semaphore_mem>>) src(%dma_wait3A_1160 : memref<2048xi32, #tpu.memory_space<hbm>>) dst(%arg5 : memref<2048xi32, #tpu.memory_space<vmem>>)
      tpu.yield
    }) : () -> ()
    %broadcast_in_dim3A = arith.constant 0 : i32
    %broadcast_in_dim3A_38 = vector.broadcast %broadcast_in_dim3A : i32 to vector<16xi32>
    %scan3A = arith.constant 0 : i32
    %scan3A_39 = arith.constant 128 : i32
    %scan3A_40 = arith.addi %scan3A, %scan3A_39 : i32
    %scan3A_41 = arith.constant 1 : i32
    %scan3A_42 = scf.for %scan3A_1157 = %scan3A to %scan3A_40 step %scan3A_41 iter_args(%scan3A_1158 = %broadcast_in_dim3A_38) -> (vector<16xi32>)  : i32 {
      %mul3A_1159 = arith.constant 16 : i32
      %mul3A_1160 = arith.muli %scan3A_1157, %mul3A_1159 : i32
      %get3A_1161 = arith.index_cast %mul3A_1160 : i32 to index
      %get3A_1162 = tpu.vector_load %arg5[%get3A_1161] {strides = array<i32>} : memref<2048xi32, #tpu.memory_space<vmem>>, vector<16xi32>,
      %get3A_1163 = vector.shape_cast %get3A_1162 : vector<16xi32> to vector<16xi32>
      %ne3A_1164 = arith.constant 0 : i32
      %ne3A_1165 = vector.broadcast %ne3A_1164 : i32 to vector<16xi32>
      %ne3A_1166 = arith.cmpi ne, %get3A_1163, %ne3A_1165 : vector<16xi32>
      %jit3A_1167 = arith.constant 1 : i32
      %jit3A_1168 = arith.constant 0 : i32
      %broadcast_in_dim3A_1169 = vector.broadcast %jit3A_1167 : i32 to vector<16xi32>
      %broadcast_in_dim3A_1170 = vector.broadcast %jit3A_1168 : i32 to vector<16xi32>
      %select_n3A_1171 = arith.select %ne3A_1166, %broadcast_in_dim3A_1169, %broadcast_in_dim3A_1170 : vector<16xi1>, vector<16xi32>
      %add3A_1172 = arith.addi %scan3A_1158, %select_n3A_1171 : vector<16xi32>
      scf.yield %add3A_1172 : vector<16xi32>
    }
    %scan3A_43 = arith.constant 128 : i32
    %add3A_44 = arith.constant 8 : i32
    %add3A_45 = vector.broadcast %add3A_44 : i32 to vector<16xi32>
    %add3A_46 = arith.addi %iota3A, %add3A_45 : vector<16xi32>
    %and3A_47 = arith.constant 15 : i32
    %and3A_48 = vector.broadcast %and3A_47 : i32 to vector<16xi32>
    %and3A_49 = arith.andi %add3A_46, %and3A_48 : vector<16xi32>
    %broadcast_in_dim3A_50 = vector.shape_cast %and3A_49 : vector<16xi32> to vector<16x1xi32>
    %gather3A = vector.shape_cast %broadcast_in_dim3A_50 : vector<16x1xi32> to vector<16xi32>
    %gather3A_51 = tpu.dynamic_gather %scan3A_42[%gather3A] in [0] : vector<16xi32>, vector<16xi32> -> vector<16xi32>
    %add3A_52 = arith.addi %scan3A_42, %gather3A_51 : vector<16xi32>
    %add3A_53 = arith.constant 4 : i32
    %add3A_54 = vector.broadcast %add3A_53 : i32 to vector<16xi32>
    %add3A_55 = arith.addi %iota3A, %add3A_54 : vector<16xi32>
    %and3A_56 = arith.constant 15 : i32
    %and3A_57 = vector.broadcast %and3A_56 : i32 to vector<16xi32>
    %and3A_58 = arith.andi %add3A_55, %and3A_57 : vector<16xi32>
    %broadcast_in_dim3A_59 = vector.shape_cast %and3A_58 : vector<16xi32> to vector<16x1xi32>
    %gather3A_60 = vector.shape_cast %broadcast_in_dim3A_59 : vector<16x1xi32> to vector<16xi32>
    %gather3A_61 = tpu.dynamic_gather %add3A_52[%gather3A_60] in [0] : vector<16xi32>, vector<16xi32> -> vector<16xi32>
    %add3A_62 = arith.addi %add3A_52, %gather3A_61 : vector<16xi32>
    %add3A_63 = arith.constant 2 : i32
    %add3A_64 = vector.broadcast %add3A_63 : i32 to vector<16xi32>
    %add3A_65 = arith.addi %iota3A, %add3A_64 : vector<16xi32>
    %and3A_66 = arith.constant 15 : i32
    %and3A_67 = vector.broadcast %and3A_66 : i32 to vector<16xi32>
    %and3A_68 = arith.andi %add3A_65, %and3A_67 : vector<16xi32>
    %broadcast_in_dim3A_69 = vector.shape_cast %and3A_68 : vector<16xi32> to vector<16x1xi32>
    %gather3A_70 = vector.shape_cast %broadcast_in_dim3A_69 : vector<16x1xi32> to vector<16xi32>
    %gather3A_71 = tpu.dynamic_gather %add3A_62[%gather3A_70] in [0] : vector<16xi32>, vector<16xi32> -> vector<16xi32>
    %add3A_72 = arith.addi %add3A_62, %gather3A_71 : vector<16xi32>
    %add3A_73 = arith.constant 1 : i32
    %add3A_74 = vector.broadcast %add3A_73 : i32 to vector<16xi32>
    %add3A_75 = arith.addi %iota3A, %add3A_74 : vector<16xi32>
    %and3A_76 = arith.constant 15 : i32
    %and3A_77 = vector.broadcast %and3A_76 : i32 to vector<16xi32>
    %and3A_78 = arith.andi %add3A_75, %and3A_77 : vector<16xi32>
    %broadcast_in_dim3A_79 = vector.shape_cast %and3A_78 : vector<16xi32> to vector<16x1xi32>
    %gather3A_80 = vector.shape_cast %broadcast_in_dim3A_79 : vector<16x1xi32> to vector<16xi32>
    %gather3A_81 = tpu.dynamic_gather %add3A_72[%gather3A_80] in [0] : vector<16xi32>, vector<16xi32> -> vector<16xi32>
    %add3A_82 = arith.addi %add3A_72, %gather3A_81 : vector<16xi32>
    %mul3A_83 = arith.constant 512 : i32
    %mul3A_84 = arith.muli %select_n3A_30, %mul3A_83 : i32
    %add3A_85 = arith.constant 0 : i32
    %add3A_86 = arith.addi %mul3A_84, %add3A_85 : i32
    %get3A = arith.index_cast %add3A_86 : i32 to index
    %get3A_87 = tpu.vector_load %arg5[%get3A] {strides = array<i32>} : memref<2048xi32, #tpu.memory_space<vmem>>, vector<16xi32>,
    %get3A_88 = vector.shape_cast %get3A_87 : vector<16xi32> to vector<16xi32>
    %add3A_89 = arith.constant 0 : i32
    %add3A_90 = arith.addi %add3A_35, %add3A_89 : i32
    %add3A_91 = vector.broadcast %add3A_90 : i32 to vector<16xi32>
    %add3A_92 = arith.addi %add3A_91, %iota3A : vector<16xi32>
    %mul3A_93 = arith.constant 4096 : i32
    %mul3A_94 = vector.broadcast %mul3A_93 : i32 to vector<16xi32>
    %mul3A_95 = arith.muli %add3A_92, %mul3A_94 : vector<16xi32>
    %add3A_96 = arith.addi %mul3A_95, %get3A_88 : vector<16xi32>
    %swap3A = arith.constant 0 : index
    %swap3A_97 = tpu.vector_load %arg6[%swap3A] {strides = array<i32>} : memref<128xi32, #tpu.memory_space<vmem>>, vector<16xi32>,
    %swap3A_98 = vector.shape_cast %swap3A_97 : vector<16xi32> to vector<16xi32>
    %swap3A_99 = vector.shape_cast %add3A_96 : vector<16xi32> to vector<16xi32>
    tpu.vector_store %arg6[%swap3A], %swap3A_99 {strides = array<i32>} : memref<128xi32, #tpu.memory_space<vmem>>, vector<16xi32>,
    %mul3A_100 = arith.constant 512 : i32
    %mul3A_101 = arith.muli %select_n3A_30, %mul3A_100 : i32
    %add3A_102 = arith.constant 16 : i32
    %add3A_103 = arith.addi %mul3A_101, %add3A_102 : i32
    %get3A_104 = arith.index_cast %add3A_103 : i32 to index
    %get3A_105 = tpu.vector_load %arg5[%get3A_104] {strides = array<i32>} : memref<2048xi32, #tpu.memory_space<vmem>>, vector<16xi32>,
    %get3A_106 = vector.shape_cast %get3A_105 : vector<16xi32> to vector<16xi32>
    %add3A_107 = arith.constant 16 : i32
    %add3A_108 = arith.addi %add3A_35, %add3A_107 : i32
    %add3A_109 = vector.broadcast %add3A_108 : i32 to vector<16xi32>
    %add3A_110 = arith.addi %add3A_109, %iota3A : vector<16xi32>
    %mul3A_111 = arith.constant 4096 : i32
    %mul3A_112 = vector.broadcast %mul3A_111 : i32 to vector<16xi32>
    %mul3A_113 = arith.muli %add3A_110, %mul3A_112 : vector<16xi32>
    %add3A_114 = arith.addi %mul3A_113, %get3A_106 : vector<16xi32>
    %swap3A_115 = arith.constant 16 : index
    %swap3A_116 = tpu.vector_load %arg6[%swap3A_115] {strides = array<i32>} : memref<128xi32, #tpu.memory_space<vmem>>, vector<16xi32>,
    %swap3A_117 = vector.shape_cast %swap3A_116 : vector<16xi32> to vector<16xi32>
    %swap3A_118 = vector.shape_cast %add3A_114 : vector<16xi32> to vector<16xi32>
    tpu.vector_store %arg6[%swap3A_115], %swap3A_118 {strides = array<i32>} : memref<128xi32, #tpu.memory_space<vmem>>, vector<16xi32>,
    %mul3A_119 = arith.constant 512 : i32
    %mul3A_120 = arith.muli %select_n3A_30, %mul3A_119 : i32
    %add3A_121 = arith.constant 32 : i32
    %add3A_122 = arith.addi %mul3A_120, %add3A_121 : i32
    %get3A_123 = arith.index_cast %add3A_122 : i32 to index
    %get3A_124 = tpu.vector_load %arg5[%get3A_123] {strides = array<i32>} : memref<2048xi32, #tpu.memory_space<vmem>>, vector<16xi32>,
    %get3A_125 = vector.shape_cast %get3A_124 : vector<16xi32> to vector<16xi32>
    %add3A_126 = arith.constant 32 : i32
    %add3A_127 = arith.addi %add3A_35, %add3A_126 : i32
    %add3A_128 = vector.broadcast %add3A_127 : i32 to vector<16xi32>
    %add3A_129 = arith.addi %add3A_128, %iota3A : vector<16xi32>
    %mul3A_130 = arith.constant 4096 : i32
    %mul3A_131 = vector.broadcast %mul3A_130 : i32 to vector<16xi32>
    %mul3A_132 = arith.muli %add3A_129, %mul3A_131 : vector<16xi32>
    %add3A_133 = arith.addi %mul3A_132, %get3A_125 : vector<16xi32>
    %swap3A_134 = arith.constant 32 : index
    %swap3A_135 = tpu.vector_load %arg6[%swap3A_134] {strides = array<i32>} : memref<128xi32, #tpu.memory_space<vmem>>, vector<16xi32>,
    %swap3A_136 = vector.shape_cast %swap3A_135 : vector<16xi32> to vector<16xi32>
    %swap3A_137 = vector.shape_cast %add3A_133 : vector<16xi32> to vector<16xi32>
    tpu.vector_store %arg6[%swap3A_134], %swap3A_137 {strides = array<i32>} : memref<128xi32, #tpu.memory_space<vmem>>, vector<16xi32>,
    %mul3A_138 = arith.constant 512 : i32
    %mul3A_139 = arith.muli %select_n3A_30, %mul3A_138 : i32
    %add3A_140 = arith.constant 48 : i32
    %add3A_141 = arith.addi %mul3A_139, %add3A_140 : i32
    %get3A_142 = arith.index_cast %add3A_141 : i32 to index
    %get3A_143 = tpu.vector_load %arg5[%get3A_142] {strides = array<i32>} : memref<2048xi32, #tpu.memory_space<vmem>>, vector<16xi32>,
    %get3A_144 = vector.shape_cast %get3A_143 : vector<16xi32> to vector<16xi32>
    %add3A_145 = arith.constant 48 : i32
    %add3A_146 = arith.addi %add3A_35, %add3A_145 : i32
    %add3A_147 = vector.broadcast %add3A_146 : i32 to vector<16xi32>
    %add3A_148 = arith.addi %add3A_147, %iota3A : vector<16xi32>
    %mul3A_149 = arith.constant 4096 : i32
    %mul3A_150 = vector.broadcast %mul3A_149 : i32 to vector<16xi32>
    %mul3A_151 = arith.muli %add3A_148, %mul3A_150 : vector<16xi32>
    %add3A_152 = arith.addi %mul3A_151, %get3A_144 : vector<16xi32>
    %swap3A_153 = arith.constant 48 : index
    %swap3A_154 = tpu.vector_load %arg6[%swap3A_153] {strides = array<i32>} : memref<128xi32, #tpu.memory_space<vmem>>, vector<16xi32>,
    %swap3A_155 = vector.shape_cast %swap3A_154 : vector<16xi32> to vector<16xi32>
    %swap3A_156 = vector.shape_cast %add3A_152 : vector<16xi32> to vector<16xi32>
    tpu.vector_store %arg6[%swap3A_153], %swap3A_156 {strides = array<i32>} : memref<128xi32, #tpu.memory_space<vmem>>, vector<16xi32>,
    %mul3A_157 = arith.constant 512 : i32
    %mul3A_158 = arith.muli %select_n3A_30, %mul3A_157 : i32
    %add3A_159 = arith.constant 64 : i32
    %add3A_160 = arith.addi %mul3A_158, %add3A_159 : i32
    %get3A_161 = arith.index_cast %add3A_160 : i32 to index
    %get3A_162 = tpu.vector_load %arg5[%get3A_161] {strides = array<i32>} : memref<2048xi32, #tpu.memory_space<vmem>>, vector<16xi32>,
    %get3A_163 = vector.shape_cast %get3A_162 : vector<16xi32> to vector<16xi32>
    %add3A_164 = arith.constant 64 : i32
    %add3A_165 = arith.addi %add3A_35, %add3A_164 : i32
    %add3A_166 = vector.broadcast %add3A_165 : i32 to vector<16xi32>
    %add3A_167 = arith.addi %add3A_166, %iota3A : vector<16xi32>
    %mul3A_168 = arith.constant 4096 : i32
    %mul3A_169 = vector.broadcast %mul3A_168 : i32 to vector<16xi32>
    %mul3A_170 = arith.muli %add3A_167, %mul3A_169 : vector<16xi32>
    %add3A_171 = arith.addi %mul3A_170, %get3A_163 : vector<16xi32>
    %swap3A_172 = arith.constant 64 : index
    %swap3A_173 = tpu.vector_load %arg6[%swap3A_172] {strides = array<i32>} : memref<128xi32, #tpu.memory_space<vmem>>, vector<16xi32>,
    %swap3A_174 = vector.shape_cast %swap3A_173 : vector<16xi32> to vector<16xi32>
    %swap3A_175 = vector.shape_cast %add3A_171 : vector<16xi32> to vector<16xi32>
    tpu.vector_store %arg6[%swap3A_172], %swap3A_175 {strides = array<i32>} : memref<128xi32, #tpu.memory_space<vmem>>, vector<16xi32>,
    %mul3A_176 = arith.constant 512 : i32
    %mul3A_177 = arith.muli %select_n3A_30, %mul3A_176 : i32
    %add3A_178 = arith.constant 80 : i32
    %add3A_179 = arith.addi %mul3A_177, %add3A_178 : i32
    %get3A_180 = arith.index_cast %add3A_179 : i32 to index
    %get3A_181 = tpu.vector_load %arg5[%get3A_180] {strides = array<i32>} : memref<2048xi32, #tpu.memory_space<vmem>>, vector<16xi32>,
    %get3A_182 = vector.shape_cast %get3A_181 : vector<16xi32> to vector<16xi32>
    %add3A_183 = arith.constant 80 : i32
    %add3A_184 = arith.addi %add3A_35, %add3A_183 : i32
    %add3A_185 = vector.broadcast %add3A_184 : i32 to vector<16xi32>
    %add3A_186 = arith.addi %add3A_185, %iota3A : vector<16xi32>
    %mul3A_187 = arith.constant 4096 : i32
    %mul3A_188 = vector.broadcast %mul3A_187 : i32 to vector<16xi32>
    %mul3A_189 = arith.muli %add3A_186, %mul3A_188 : vector<16xi32>
    %add3A_190 = arith.addi %mul3A_189, %get3A_182 : vector<16xi32>
    %swap3A_191 = arith.constant 80 : index
    %swap3A_192 = tpu.vector_load %arg6[%swap3A_191] {strides = array<i32>} : memref<128xi32, #tpu.memory_space<vmem>>, vector<16xi32>,
    %swap3A_193 = vector.shape_cast %swap3A_192 : vector<16xi32> to vector<16xi32>
    %swap3A_194 = vector.shape_cast %add3A_190 : vector<16xi32> to vector<16xi32>
    tpu.vector_store %arg6[%swap3A_191], %swap3A_194 {strides = array<i32>} : memref<128xi32, #tpu.memory_space<vmem>>, vector<16xi32>,
    %mul3A_195 = arith.constant 512 : i32
    %mul3A_196 = arith.muli %select_n3A_30, %mul3A_195 : i32
    %add3A_197 = arith.constant 96 : i32
    %add3A_198 = arith.addi %mul3A_196, %add3A_197 : i32
    %get3A_199 = arith.index_cast %add3A_198 : i32 to index
    %get3A_200 = tpu.vector_load %arg5[%get3A_199] {strides = array<i32>} : memref<2048xi32, #tpu.memory_space<vmem>>, vector<16xi32>,
    %get3A_201 = vector.shape_cast %get3A_200 : vector<16xi32> to vector<16xi32>
    %add3A_202 = arith.constant 96 : i32
    %add3A_203 = arith.addi %add3A_35, %add3A_202 : i32
    %add3A_204 = vector.broadcast %add3A_203 : i32 to vector<16xi32>
    %add3A_205 = arith.addi %add3A_204, %iota3A : vector<16xi32>
    %mul3A_206 = arith.constant 4096 : i32
    %mul3A_207 = vector.broadcast %mul3A_206 : i32 to vector<16xi32>
    %mul3A_208 = arith.muli %add3A_205, %mul3A_207 : vector<16xi32>
    %add3A_209 = arith.addi %mul3A_208, %get3A_201 : vector<16xi32>
    %swap3A_210 = arith.constant 96 : index
    %swap3A_211 = tpu.vector_load %arg6[%swap3A_210] {strides = array<i32>} : memref<128xi32, #tpu.memory_space<vmem>>, vector<16xi32>,
    %swap3A_212 = vector.shape_cast %swap3A_211 : vector<16xi32> to vector<16xi32>
    %swap3A_213 = vector.shape_cast %add3A_209 : vector<16xi32> to vector<16xi32>
    tpu.vector_store %arg6[%swap3A_210], %swap3A_213 {strides = array<i32>} : memref<128xi32, #tpu.memory_space<vmem>>, vector<16xi32>,
    %mul3A_214 = arith.constant 512 : i32
    %mul3A_215 = arith.muli %select_n3A_30, %mul3A_214 : i32
    %add3A_216 = arith.constant 112 : i32
    %add3A_217 = arith.addi %mul3A_215, %add3A_216 : i32
    %get3A_218 = arith.index_cast %add3A_217 : i32 to index
    %get3A_219 = tpu.vector_load %arg5[%get3A_218] {strides = array<i32>} : memref<2048xi32, #tpu.memory_space<vmem>>, vector<16xi32>,
    %get3A_220 = vector.shape_cast %get3A_219 : vector<16xi32> to vector<16xi32>
    %add3A_221 = arith.constant 112 : i32
    %add3A_222 = arith.addi %add3A_35, %add3A_221 : i32
    %add3A_223 = vector.broadcast %add3A_222 : i32 to vector<16xi32>
    %add3A_224 = arith.addi %add3A_223, %iota3A : vector<16xi32>
    %mul3A_225 = arith.constant 4096 : i32
    %mul3A_226 = vector.broadcast %mul3A_225 : i32 to vector<16xi32>
    %mul3A_227 = arith.muli %add3A_224, %mul3A_226 : vector<16xi32>
    %add3A_228 = arith.addi %mul3A_227, %get3A_220 : vector<16xi32>
    %swap3A_229 = arith.constant 112 : index
    %swap3A_230 = tpu.vector_load %arg6[%swap3A_229] {strides = array<i32>} : memref<128xi32, #tpu.memory_space<vmem>>, vector<16xi32>,
    %swap3A_231 = vector.shape_cast %swap3A_230 : vector<16xi32> to vector<16xi32>
    %swap3A_232 = vector.shape_cast %add3A_228 : vector<16xi32> to vector<16xi32>
    tpu.vector_store %arg6[%swap3A_229], %swap3A_232 {strides = array<i32>} : memref<128xi32, #tpu.memory_space<vmem>>, vector<16xi32>,
    %mul3A_233 = arith.constant 512 : i32
    %mul3A_234 = arith.muli %select_n3A_30, %mul3A_233 : i32
    %add3A_235 = arith.constant 128 : i32
    %add3A_236 = arith.addi %mul3A_234, %add3A_235 : i32
    %get3A_237 = arith.index_cast %add3A_236 : i32 to index
    %get3A_238 = tpu.vector_load %arg5[%get3A_237] {strides = array<i32>} : memref<2048xi32, #tpu.memory_space<vmem>>, vector<16xi32>,
    %get3A_239 = vector.shape_cast %get3A_238 : vector<16xi32> to vector<16xi32>
    %add3A_240 = arith.constant 128 : i32
    %add3A_241 = arith.addi %add3A_35, %add3A_240 : i32
    %add3A_242 = vector.broadcast %add3A_241 : i32 to vector<16xi32>
    %add3A_243 = arith.addi %add3A_242, %iota3A : vector<16xi32>
    %mul3A_244 = arith.constant 4096 : i32
    %mul3A_245 = vector.broadcast %mul3A_244 : i32 to vector<16xi32>
    %mul3A_246 = arith.muli %add3A_243, %mul3A_245 : vector<16xi32>
    %add3A_247 = arith.addi %mul3A_246, %get3A_239 : vector<16xi32>
    %swap3A_248 = arith.constant 0 : index
    %swap3A_249 = tpu.vector_load %arg7[%swap3A_248] {strides = array<i32>} : memref<128xi32, #tpu.memory_space<vmem>>, vector<16xi32>,
    %swap3A_250 = vector.shape_cast %swap3A_249 : vector<16xi32> to vector<16xi32>
    %swap3A_251 = vector.shape_cast %add3A_247 : vector<16xi32> to vector<16xi32>
    tpu.vector_store %arg7[%swap3A_248], %swap3A_251 {strides = array<i32>} : memref<128xi32, #tpu.memory_space<vmem>>, vector<16xi32>,
    %mul3A_252 = arith.constant 512 : i32
    %mul3A_253 = arith.muli %select_n3A_30, %mul3A_252 : i32
    %add3A_254 = arith.constant 144 : i32
    %add3A_255 = arith.addi %mul3A_253, %add3A_254 : i32
    %get3A_256 = arith.index_cast %add3A_255 : i32 to index
    %get3A_257 = tpu.vector_load %arg5[%get3A_256] {strides = array<i32>} : memref<2048xi32, #tpu.memory_space<vmem>>, vector<16xi32>,
    %get3A_258 = vector.shape_cast %get3A_257 : vector<16xi32> to vector<16xi32>
    %add3A_259 = arith.constant 144 : i32
    %add3A_260 = arith.addi %add3A_35, %add3A_259 : i32
    %add3A_261 = vector.broadcast %add3A_260 : i32 to vector<16xi32>
    %add3A_262 = arith.addi %add3A_261, %iota3A : vector<16xi32>
    %mul3A_263 = arith.constant 4096 : i32
    %mul3A_264 = vector.broadcast %mul3A_263 : i32 to vector<16xi32>
    %mul3A_265 = arith.muli %add3A_262, %mul3A_264 : vector<16xi32>
    %add3A_266 = arith.addi %mul3A_265, %get3A_258 : vector<16xi32>
    %swap3A_267 = arith.constant 16 : index
    %swap3A_268 = tpu.vector_load %arg7[%swap3A_267] {strides = array<i32>} : memref<128xi32, #tpu.memory_space<vmem>>, vector<16xi32>,
    %swap3A_269 = vector.shape_cast %swap3A_268 : vector<16xi32> to vector<16xi32>
    %swap3A_270 = vector.shape_cast %add3A_266 : vector<16xi32> to vector<16xi32>
    tpu.vector_store %arg7[%swap3A_267], %swap3A_270 {strides = array<i32>} : memref<128xi32, #tpu.memory_space<vmem>>, vector<16xi32>,
    %mul3A_271 = arith.constant 512 : i32
    %mul3A_272 = arith.muli %select_n3A_30, %mul3A_271 : i32
    %add3A_273 = arith.constant 160 : i32
    %add3A_274 = arith.addi %mul3A_272, %add3A_273 : i32
    %get3A_275 = arith.index_cast %add3A_274 : i32 to index
    %get3A_276 = tpu.vector_load %arg5[%get3A_275] {strides = array<i32>} : memref<2048xi32, #tpu.memory_space<vmem>>, vector<16xi32>,
    %get3A_277 = vector.shape_cast %get3A_276 : vector<16xi32> to vector<16xi32>
    %add3A_278 = arith.constant 160 : i32
    %add3A_279 = arith.addi %add3A_35, %add3A_278 : i32
    %add3A_280 = vector.broadcast %add3A_279 : i32 to vector<16xi32>
    %add3A_281 = arith.addi %add3A_280, %iota3A : vector<16xi32>
    %mul3A_282 = arith.constant 4096 : i32
    %mul3A_283 = vector.broadcast %mul3A_282 : i32 to vector<16xi32>
    %mul3A_284 = arith.muli %add3A_281, %mul3A_283 : vector<16xi32>
    %add3A_285 = arith.addi %mul3A_284, %get3A_277 : vector<16xi32>
    %swap3A_286 = arith.constant 32 : index
    %swap3A_287 = tpu.vector_load %arg7[%swap3A_286] {strides = array<i32>} : memref<128xi32, #tpu.memory_space<vmem>>, vector<16xi32>,
    %swap3A_288 = vector.shape_cast %swap3A_287 : vector<16xi32> to vector<16xi32>
    %swap3A_289 = vector.shape_cast %add3A_285 : vector<16xi32> to vector<16xi32>
    tpu.vector_store %arg7[%swap3A_286], %swap3A_289 {strides = array<i32>} : memref<128xi32, #tpu.memory_space<vmem>>, vector<16xi32>,
    %mul3A_290 = arith.constant 512 : i32
    %mul3A_291 = arith.muli %select_n3A_30, %mul3A_290 : i32
    %add3A_292 = arith.constant 176 : i32
    %add3A_293 = arith.addi %mul3A_291, %add3A_292 : i32
    %get3A_294 = arith.index_cast %add3A_293 : i32 to index
    %get3A_295 = tpu.vector_load %arg5[%get3A_294] {strides = array<i32>} : memref<2048xi32, #tpu.memory_space<vmem>>, vector<16xi32>,
    %get3A_296 = vector.shape_cast %get3A_295 : vector<16xi32> to vector<16xi32>
    %add3A_297 = arith.constant 176 : i32
    %add3A_298 = arith.addi %add3A_35, %add3A_297 : i32
    %add3A_299 = vector.broadcast %add3A_298 : i32 to vector<16xi32>
    %add3A_300 = arith.addi %add3A_299, %iota3A : vector<16xi32>
    %mul3A_301 = arith.constant 4096 : i32
    %mul3A_302 = vector.broadcast %mul3A_301 : i32 to vector<16xi32>
    %mul3A_303 = arith.muli %add3A_300, %mul3A_302 : vector<16xi32>
    %add3A_304 = arith.addi %mul3A_303, %get3A_296 : vector<16xi32>
    %swap3A_305 = arith.constant 48 : index
    %swap3A_306 = tpu.vector_load %arg7[%swap3A_305] {strides = array<i32>} : memref<128xi32, #tpu.memory_space<vmem>>, vector<16xi32>,
    %swap3A_307 = vector.shape_cast %swap3A_306 : vector<16xi32> to vector<16xi32>
    %swap3A_308 = vector.shape_cast %add3A_304 : vector<16xi32> to vector<16xi32>
    tpu.vector_store %arg7[%swap3A_305], %swap3A_308 {strides = array<i32>} : memref<128xi32, #tpu.memory_space<vmem>>, vector<16xi32>,
    %mul3A_309 = arith.constant 512 : i32
    %mul3A_310 = arith.muli %select_n3A_30, %mul3A_309 : i32
    %add3A_311 = arith.constant 192 : i32
    %add3A_312 = arith.addi %mul3A_310, %add3A_311 : i32
    %get3A_313 = arith.index_cast %add3A_312 : i32 to index
    %get3A_314 = tpu.vector_load %arg5[%get3A_313] {strides = array<i32>} : memref<2048xi32, #tpu.memory_space<vmem>>, vector<16xi32>,
    %get3A_315 = vector.shape_cast %get3A_314 : vector<16xi32> to vector<16xi32>
    %add3A_316 = arith.constant 192 : i32
    %add3A_317 = arith.addi %add3A_35, %add3A_316 : i32
    %add3A_318 = vector.broadcast %add3A_317 : i32 to vector<16xi32>
    %add3A_319 = arith.addi %add3A_318, %iota3A : vector<16xi32>
    %mul3A_320 = arith.constant 4096 : i32
    %mul3A_321 = vector.broadcast %mul3A_320 : i32 to vector<16xi32>
    %mul3A_322 = arith.muli %add3A_319, %mul3A_321 : vector<16xi32>
    %add3A_323 = arith.addi %mul3A_322, %get3A_315 : vector<16xi32>
    %swap3A_324 = arith.constant 64 : index
    %swap3A_325 = tpu.vector_load %arg7[%swap3A_324] {strides = array<i32>} : memref<128xi32, #tpu.memory_space<vmem>>, vector<16xi32>,
    %swap3A_326 = vector.shape_cast %swap3A_325 : vector<16xi32> to vector<16xi32>
    %swap3A_327 = vector.shape_cast %add3A_323 : vector<16xi32> to vector<16xi32>
    tpu.vector_store %arg7[%swap3A_324], %swap3A_327 {strides = array<i32>} : memref<128xi32, #tpu.memory_space<vmem>>, vector<16xi32>,
    %mul3A_328 = arith.constant 512 : i32
    %mul3A_329 = arith.muli %select_n3A_30, %mul3A_328 : i32
    %add3A_330 = arith.constant 208 : i32
    %add3A_331 = arith.addi %mul3A_329, %add3A_330 : i32
    %get3A_332 = arith.index_cast %add3A_331 : i32 to index
    %get3A_333 = tpu.vector_load %arg5[%get3A_332] {strides = array<i32>} : memref<2048xi32, #tpu.memory_space<vmem>>, vector<16xi32>,
    %get3A_334 = vector.shape_cast %get3A_333 : vector<16xi32> to vector<16xi32>
    %add3A_335 = arith.constant 208 : i32
    %add3A_336 = arith.addi %add3A_35, %add3A_335 : i32
    %add3A_337 = vector.broadcast %add3A_336 : i32 to vector<16xi32>
    %add3A_338 = arith.addi %add3A_337, %iota3A : vector<16xi32>
    %mul3A_339 = arith.constant 4096 : i32
    %mul3A_340 = vector.broadcast %mul3A_339 : i32 to vector<16xi32>
    %mul3A_341 = arith.muli %add3A_338, %mul3A_340 : vector<16xi32>
    %add3A_342 = arith.addi %mul3A_341, %get3A_334 : vector<16xi32>
    %swap3A_343 = arith.constant 80 : index
    %swap3A_344 = tpu.vector_load %arg7[%swap3A_343] {strides = array<i32>} : memref<128xi32, #tpu.memory_space<vmem>>, vector<16xi32>,
    %swap3A_345 = vector.shape_cast %swap3A_344 : vector<16xi32> to vector<16xi32>
    %swap3A_346 = vector.shape_cast %add3A_342 : vector<16xi32> to vector<16xi32>
    tpu.vector_store %arg7[%swap3A_343], %swap3A_346 {strides = array<i32>} : memref<128xi32, #tpu.memory_space<vmem>>, vector<16xi32>,
    %mul3A_347 = arith.constant 512 : i32
    %mul3A_348 = arith.muli %select_n3A_30, %mul3A_347 : i32
    %add3A_349 = arith.constant 224 : i32
    %add3A_350 = arith.addi %mul3A_348, %add3A_349 : i32
    %get3A_351 = arith.index_cast %add3A_350 : i32 to index
    %get3A_352 = tpu.vector_load %arg5[%get3A_351] {strides = array<i32>} : memref<2048xi32, #tpu.memory_space<vmem>>, vector<16xi32>,
    %get3A_353 = vector.shape_cast %get3A_352 : vector<16xi32> to vector<16xi32>
    %add3A_354 = arith.constant 224 : i32
    %add3A_355 = arith.addi %add3A_35, %add3A_354 : i32
    %add3A_356 = vector.broadcast %add3A_355 : i32 to vector<16xi32>
    %add3A_357 = arith.addi %add3A_356, %iota3A : vector<16xi32>
    %mul3A_358 = arith.constant 4096 : i32
    %mul3A_359 = vector.broadcast %mul3A_358 : i32 to vector<16xi32>
    %mul3A_360 = arith.muli %add3A_357, %mul3A_359 : vector<16xi32>
    %add3A_361 = arith.addi %mul3A_360, %get3A_353 : vector<16xi32>
    %swap3A_362 = arith.constant 96 : index
    %swap3A_363 = tpu.vector_load %arg7[%swap3A_362] {strides = array<i32>} : memref<128xi32, #tpu.memory_space<vmem>>, vector<16xi32>,
    %swap3A_364 = vector.shape_cast %swap3A_363 : vector<16xi32> to vector<16xi32>
    %swap3A_365 = vector.shape_cast %add3A_361 : vector<16xi32> to vector<16xi32>
    tpu.vector_store %arg7[%swap3A_362], %swap3A_365 {strides = array<i32>} : memref<128xi32, #tpu.memory_space<vmem>>, vector<16xi32>,
    %mul3A_366 = arith.constant 512 : i32
    %mul3A_367 = arith.muli %select_n3A_30, %mul3A_366 : i32
    %add3A_368 = arith.constant 240 : i32
    %add3A_369 = arith.addi %mul3A_367, %add3A_368 : i32
    %get3A_370 = arith.index_cast %add3A_369 : i32 to index
    %get3A_371 = tpu.vector_load %arg5[%get3A_370] {strides = array<i32>} : memref<2048xi32, #tpu.memory_space<vmem>>, vector<16xi32>,
    %get3A_372 = vector.shape_cast %get3A_371 : vector<16xi32> to vector<16xi32>
    %add3A_373 = arith.constant 240 : i32
    %add3A_374 = arith.addi %add3A_35, %add3A_373 : i32
    %add3A_375 = vector.broadcast %add3A_374 : i32 to vector<16xi32>
    %add3A_376 = arith.addi %add3A_375, %iota3A : vector<16xi32>
    %mul3A_377 = arith.constant 4096 : i32
    %mul3A_378 = vector.broadcast %mul3A_377 : i32 to vector<16xi32>
    %mul3A_379 = arith.muli %add3A_376, %mul3A_378 : vector<16xi32>
    %add3A_380 = arith.addi %mul3A_379, %get3A_372 : vector<16xi32>
    %swap3A_381 = arith.constant 112 : index
    %swap3A_382 = tpu.vector_load %arg7[%swap3A_381] {strides = array<i32>} : memref<128xi32, #tpu.memory_space<vmem>>, vector<16xi32>,
    %swap3A_383 = vector.shape_cast %swap3A_382 : vector<16xi32> to vector<16xi32>
    %swap3A_384 = vector.shape_cast %add3A_380 : vector<16xi32> to vector<16xi32>
    tpu.vector_store %arg7[%swap3A_381], %swap3A_384 {strides = array<i32>} : memref<128xi32, #tpu.memory_space<vmem>>, vector<16xi32>,
    %mul3A_385 = arith.constant 512 : i32
    %mul3A_386 = arith.muli %select_n3A_30, %mul3A_385 : i32
    %add3A_387 = arith.constant 256 : i32
    %add3A_388 = arith.addi %mul3A_386, %add3A_387 : i32
    %get3A_389 = arith.index_cast %add3A_388 : i32 to index
    %get3A_390 = tpu.vector_load %arg5[%get3A_389] {strides = array<i32>} : memref<2048xi32, #tpu.memory_space<vmem>>, vector<16xi32>,
    %get3A_391 = vector.shape_cast %get3A_390 : vector<16xi32> to vector<16xi32>
    %add3A_392 = arith.constant 256 : i32
    %add3A_393 = arith.addi %add3A_35, %add3A_392 : i32
    %add3A_394 = vector.broadcast %add3A_393 : i32 to vector<16xi32>
    %add3A_395 = arith.addi %add3A_394, %iota3A : vector<16xi32>
    %mul3A_396 = arith.constant 4096 : i32
    %mul3A_397 = vector.broadcast %mul3A_396 : i32 to vector<16xi32>
    %mul3A_398 = arith.muli %add3A_395, %mul3A_397 : vector<16xi32>
    %add3A_399 = arith.addi %mul3A_398, %get3A_391 : vector<16xi32>
    %swap3A_400 = arith.constant 0 : index
    %swap3A_401 = tpu.vector_load %arg8[%swap3A_400] {strides = array<i32>} : memref<128xi32, #tpu.memory_space<vmem>>, vector<16xi32>,
    %swap3A_402 = vector.shape_cast %swap3A_401 : vector<16xi32> to vector<16xi32>
    %swap3A_403 = vector.shape_cast %add3A_399 : vector<16xi32> to vector<16xi32>
    tpu.vector_store %arg8[%swap3A_400], %swap3A_403 {strides = array<i32>} : memref<128xi32, #tpu.memory_space<vmem>>, vector<16xi32>,
    %mul3A_404 = arith.constant 512 : i32
    %mul3A_405 = arith.muli %select_n3A_30, %mul3A_404 : i32
    %add3A_406 = arith.constant 272 : i32
    %add3A_407 = arith.addi %mul3A_405, %add3A_406 : i32
    %get3A_408 = arith.index_cast %add3A_407 : i32 to index
    %get3A_409 = tpu.vector_load %arg5[%get3A_408] {strides = array<i32>} : memref<2048xi32, #tpu.memory_space<vmem>>, vector<16xi32>,
    %get3A_410 = vector.shape_cast %get3A_409 : vector<16xi32> to vector<16xi32>
    %add3A_411 = arith.constant 272 : i32
    %add3A_412 = arith.addi %add3A_35, %add3A_411 : i32
    %add3A_413 = vector.broadcast %add3A_412 : i32 to vector<16xi32>
    %add3A_414 = arith.addi %add3A_413, %iota3A : vector<16xi32>
    %mul3A_415 = arith.constant 4096 : i32
    %mul3A_416 = vector.broadcast %mul3A_415 : i32 to vector<16xi32>
    %mul3A_417 = arith.muli %add3A_414, %mul3A_416 : vector<16xi32>
    %add3A_418 = arith.addi %mul3A_417, %get3A_410 : vector<16xi32>
    %swap3A_419 = arith.constant 16 : index
    %swap3A_420 = tpu.vector_load %arg8[%swap3A_419] {strides = array<i32>} : memref<128xi32, #tpu.memory_space<vmem>>, vector<16xi32>,
    %swap3A_421 = vector.shape_cast %swap3A_420 : vector<16xi32> to vector<16xi32>
    %swap3A_422 = vector.shape_cast %add3A_418 : vector<16xi32> to vector<16xi32>
    tpu.vector_store %arg8[%swap3A_419], %swap3A_422 {strides = array<i32>} : memref<128xi32, #tpu.memory_space<vmem>>, vector<16xi32>,
    %mul3A_423 = arith.constant 512 : i32
    %mul3A_424 = arith.muli %select_n3A_30, %mul3A_423 : i32
    %add3A_425 = arith.constant 288 : i32
    %add3A_426 = arith.addi %mul3A_424, %add3A_425 : i32
    %get3A_427 = arith.index_cast %add3A_426 : i32 to index
    %get3A_428 = tpu.vector_load %arg5[%get3A_427] {strides = array<i32>} : memref<2048xi32, #tpu.memory_space<vmem>>, vector<16xi32>,
    %get3A_429 = vector.shape_cast %get3A_428 : vector<16xi32> to vector<16xi32>
    %add3A_430 = arith.constant 288 : i32
    %add3A_431 = arith.addi %add3A_35, %add3A_430 : i32
    %add3A_432 = vector.broadcast %add3A_431 : i32 to vector<16xi32>
    %add3A_433 = arith.addi %add3A_432, %iota3A : vector<16xi32>
    %mul3A_434 = arith.constant 4096 : i32
    %mul3A_435 = vector.broadcast %mul3A_434 : i32 to vector<16xi32>
    %mul3A_436 = arith.muli %add3A_433, %mul3A_435 : vector<16xi32>
    %add3A_437 = arith.addi %mul3A_436, %get3A_429 : vector<16xi32>
    %swap3A_438 = arith.constant 32 : index
    %swap3A_439 = tpu.vector_load %arg8[%swap3A_438] {strides = array<i32>} : memref<128xi32, #tpu.memory_space<vmem>>, vector<16xi32>,
    %swap3A_440 = vector.shape_cast %swap3A_439 : vector<16xi32> to vector<16xi32>
    %swap3A_441 = vector.shape_cast %add3A_437 : vector<16xi32> to vector<16xi32>
    tpu.vector_store %arg8[%swap3A_438], %swap3A_441 {strides = array<i32>} : memref<128xi32, #tpu.memory_space<vmem>>, vector<16xi32>,
    %mul3A_442 = arith.constant 512 : i32
    %mul3A_443 = arith.muli %select_n3A_30, %mul3A_442 : i32
    %add3A_444 = arith.constant 304 : i32
    %add3A_445 = arith.addi %mul3A_443, %add3A_444 : i32
    %get3A_446 = arith.index_cast %add3A_445 : i32 to index
    %get3A_447 = tpu.vector_load %arg5[%get3A_446] {strides = array<i32>} : memref<2048xi32, #tpu.memory_space<vmem>>, vector<16xi32>,
    %get3A_448 = vector.shape_cast %get3A_447 : vector<16xi32> to vector<16xi32>
    %add3A_449 = arith.constant 304 : i32
    %add3A_450 = arith.addi %add3A_35, %add3A_449 : i32
    %add3A_451 = vector.broadcast %add3A_450 : i32 to vector<16xi32>
    %add3A_452 = arith.addi %add3A_451, %iota3A : vector<16xi32>
    %mul3A_453 = arith.constant 4096 : i32
    %mul3A_454 = vector.broadcast %mul3A_453 : i32 to vector<16xi32>
    %mul3A_455 = arith.muli %add3A_452, %mul3A_454 : vector<16xi32>
    %add3A_456 = arith.addi %mul3A_455, %get3A_448 : vector<16xi32>
    %swap3A_457 = arith.constant 48 : index
    %swap3A_458 = tpu.vector_load %arg8[%swap3A_457] {strides = array<i32>} : memref<128xi32, #tpu.memory_space<vmem>>, vector<16xi32>,
    %swap3A_459 = vector.shape_cast %swap3A_458 : vector<16xi32> to vector<16xi32>
    %swap3A_460 = vector.shape_cast %add3A_456 : vector<16xi32> to vector<16xi32>
    tpu.vector_store %arg8[%swap3A_457], %swap3A_460 {strides = array<i32>} : memref<128xi32, #tpu.memory_space<vmem>>, vector<16xi32>,
    %mul3A_461 = arith.constant 512 : i32
    %mul3A_462 = arith.muli %select_n3A_30, %mul3A_461 : i32
    %add3A_463 = arith.constant 320 : i32
    %add3A_464 = arith.addi %mul3A_462, %add3A_463 : i32
    %get3A_465 = arith.index_cast %add3A_464 : i32 to index
    %get3A_466 = tpu.vector_load %arg5[%get3A_465] {strides = array<i32>} : memref<2048xi32, #tpu.memory_space<vmem>>, vector<16xi32>,
    %get3A_467 = vector.shape_cast %get3A_466 : vector<16xi32> to vector<16xi32>
    %add3A_468 = arith.constant 320 : i32
    %add3A_469 = arith.addi %add3A_35, %add3A_468 : i32
    %add3A_470 = vector.broadcast %add3A_469 : i32 to vector<16xi32>
    %add3A_471 = arith.addi %add3A_470, %iota3A : vector<16xi32>
    %mul3A_472 = arith.constant 4096 : i32
    %mul3A_473 = vector.broadcast %mul3A_472 : i32 to vector<16xi32>
    %mul3A_474 = arith.muli %add3A_471, %mul3A_473 : vector<16xi32>
    %add3A_475 = arith.addi %mul3A_474, %get3A_467 : vector<16xi32>
    %swap3A_476 = arith.constant 64 : index
    %swap3A_477 = tpu.vector_load %arg8[%swap3A_476] {strides = array<i32>} : memref<128xi32, #tpu.memory_space<vmem>>, vector<16xi32>,
    %swap3A_478 = vector.shape_cast %swap3A_477 : vector<16xi32> to vector<16xi32>
    %swap3A_479 = vector.shape_cast %add3A_475 : vector<16xi32> to vector<16xi32>
    tpu.vector_store %arg8[%swap3A_476], %swap3A_479 {strides = array<i32>} : memref<128xi32, #tpu.memory_space<vmem>>, vector<16xi32>,
    %mul3A_480 = arith.constant 512 : i32
    %mul3A_481 = arith.muli %select_n3A_30, %mul3A_480 : i32
    %add3A_482 = arith.constant 336 : i32
    %add3A_483 = arith.addi %mul3A_481, %add3A_482 : i32
    %get3A_484 = arith.index_cast %add3A_483 : i32 to index
    %get3A_485 = tpu.vector_load %arg5[%get3A_484] {strides = array<i32>} : memref<2048xi32, #tpu.memory_space<vmem>>, vector<16xi32>,
    %get3A_486 = vector.shape_cast %get3A_485 : vector<16xi32> to vector<16xi32>
    %add3A_487 = arith.constant 336 : i32
    %add3A_488 = arith.addi %add3A_35, %add3A_487 : i32
    %add3A_489 = vector.broadcast %add3A_488 : i32 to vector<16xi32>
    %add3A_490 = arith.addi %add3A_489, %iota3A : vector<16xi32>
    %mul3A_491 = arith.constant 4096 : i32
    %mul3A_492 = vector.broadcast %mul3A_491 : i32 to vector<16xi32>
    %mul3A_493 = arith.muli %add3A_490, %mul3A_492 : vector<16xi32>
    %add3A_494 = arith.addi %mul3A_493, %get3A_486 : vector<16xi32>
    %swap3A_495 = arith.constant 80 : index
    %swap3A_496 = tpu.vector_load %arg8[%swap3A_495] {strides = array<i32>} : memref<128xi32, #tpu.memory_space<vmem>>, vector<16xi32>,
    %swap3A_497 = vector.shape_cast %swap3A_496 : vector<16xi32> to vector<16xi32>
    %swap3A_498 = vector.shape_cast %add3A_494 : vector<16xi32> to vector<16xi32>
    tpu.vector_store %arg8[%swap3A_495], %swap3A_498 {strides = array<i32>} : memref<128xi32, #tpu.memory_space<vmem>>, vector<16xi32>,
    %mul3A_499 = arith.constant 512 : i32
    %mul3A_500 = arith.muli %select_n3A_30, %mul3A_499 : i32
    %add3A_501 = arith.constant 352 : i32
    %add3A_502 = arith.addi %mul3A_500, %add3A_501 : i32
    %get3A_503 = arith.index_cast %add3A_502 : i32 to index
    %get3A_504 = tpu.vector_load %arg5[%get3A_503] {strides = array<i32>} : memref<2048xi32, #tpu.memory_space<vmem>>, vector<16xi32>,
    %get3A_505 = vector.shape_cast %get3A_504 : vector<16xi32> to vector<16xi32>
    %add3A_506 = arith.constant 352 : i32
    %add3A_507 = arith.addi %add3A_35, %add3A_506 : i32
    %add3A_508 = vector.broadcast %add3A_507 : i32 to vector<16xi32>
    %add3A_509 = arith.addi %add3A_508, %iota3A : vector<16xi32>
    %mul3A_510 = arith.constant 4096 : i32
    %mul3A_511 = vector.broadcast %mul3A_510 : i32 to vector<16xi32>
    %mul3A_512 = arith.muli %add3A_509, %mul3A_511 : vector<16xi32>
    %add3A_513 = arith.addi %mul3A_512, %get3A_505 : vector<16xi32>
    %swap3A_514 = arith.constant 96 : index
    %swap3A_515 = tpu.vector_load %arg8[%swap3A_514] {strides = array<i32>} : memref<128xi32, #tpu.memory_space<vmem>>, vector<16xi32>,
    %swap3A_516 = vector.shape_cast %swap3A_515 : vector<16xi32> to vector<16xi32>
    %swap3A_517 = vector.shape_cast %add3A_513 : vector<16xi32> to vector<16xi32>
    tpu.vector_store %arg8[%swap3A_514], %swap3A_517 {strides = array<i32>} : memref<128xi32, #tpu.memory_space<vmem>>, vector<16xi32>,
    %mul3A_518 = arith.constant 512 : i32
    %mul3A_519 = arith.muli %select_n3A_30, %mul3A_518 : i32
    %add3A_520 = arith.constant 368 : i32
    %add3A_521 = arith.addi %mul3A_519, %add3A_520 : i32
    %get3A_522 = arith.index_cast %add3A_521 : i32 to index
    %get3A_523 = tpu.vector_load %arg5[%get3A_522] {strides = array<i32>} : memref<2048xi32, #tpu.memory_space<vmem>>, vector<16xi32>,
    %get3A_524 = vector.shape_cast %get3A_523 : vector<16xi32> to vector<16xi32>
    %add3A_525 = arith.constant 368 : i32
    %add3A_526 = arith.addi %add3A_35, %add3A_525 : i32
    %add3A_527 = vector.broadcast %add3A_526 : i32 to vector<16xi32>
    %add3A_528 = arith.addi %add3A_527, %iota3A : vector<16xi32>
    %mul3A_529 = arith.constant 4096 : i32
    %mul3A_530 = vector.broadcast %mul3A_529 : i32 to vector<16xi32>
    %mul3A_531 = arith.muli %add3A_528, %mul3A_530 : vector<16xi32>
    %add3A_532 = arith.addi %mul3A_531, %get3A_524 : vector<16xi32>
    %swap3A_533 = arith.constant 112 : index
    %swap3A_534 = tpu.vector_load %arg8[%swap3A_533] {strides = array<i32>} : memref<128xi32, #tpu.memory_space<vmem>>, vector<16xi32>,
    %swap3A_535 = vector.shape_cast %swap3A_534 : vector<16xi32> to vector<16xi32>
    %swap3A_536 = vector.shape_cast %add3A_532 : vector<16xi32> to vector<16xi32>
    tpu.vector_store %arg8[%swap3A_533], %swap3A_536 {strides = array<i32>} : memref<128xi32, #tpu.memory_space<vmem>>, vector<16xi32>,
    %mul3A_537 = arith.constant 512 : i32
    %mul3A_538 = arith.muli %select_n3A_30, %mul3A_537 : i32
    %add3A_539 = arith.constant 384 : i32
    %add3A_540 = arith.addi %mul3A_538, %add3A_539 : i32
    %get3A_541 = arith.index_cast %add3A_540 : i32 to index
    %get3A_542 = tpu.vector_load %arg5[%get3A_541] {strides = array<i32>} : memref<2048xi32, #tpu.memory_space<vmem>>, vector<16xi32>,
    %get3A_543 = vector.shape_cast %get3A_542 : vector<16xi32> to vector<16xi32>
    %add3A_544 = arith.constant 384 : i32
    %add3A_545 = arith.addi %add3A_35, %add3A_544 : i32
    %add3A_546 = vector.broadcast %add3A_545 : i32 to vector<16xi32>
    %add3A_547 = arith.addi %add3A_546, %iota3A : vector<16xi32>
    %mul3A_548 = arith.constant 4096 : i32
    %mul3A_549 = vector.broadcast %mul3A_548 : i32 to vector<16xi32>
    %mul3A_550 = arith.muli %add3A_547, %mul3A_549 : vector<16xi32>
    %add3A_551 = arith.addi %mul3A_550, %get3A_543 : vector<16xi32>
    %swap3A_552 = arith.constant 0 : index
    %swap3A_553 = tpu.vector_load %arg9[%swap3A_552] {strides = array<i32>} : memref<128xi32, #tpu.memory_space<vmem>>, vector<16xi32>,
    %swap3A_554 = vector.shape_cast %swap3A_553 : vector<16xi32> to vector<16xi32>
    %swap3A_555 = vector.shape_cast %add3A_551 : vector<16xi32> to vector<16xi32>
    tpu.vector_store %arg9[%swap3A_552], %swap3A_555 {strides = array<i32>} : memref<128xi32, #tpu.memory_space<vmem>>, vector<16xi32>,
    %mul3A_556 = arith.constant 512 : i32
    %mul3A_557 = arith.muli %select_n3A_30, %mul3A_556 : i32
    %add3A_558 = arith.constant 400 : i32
    %add3A_559 = arith.addi %mul3A_557, %add3A_558 : i32
    %get3A_560 = arith.index_cast %add3A_559 : i32 to index
    %get3A_561 = tpu.vector_load %arg5[%get3A_560] {strides = array<i32>} : memref<2048xi32, #tpu.memory_space<vmem>>, vector<16xi32>,
    %get3A_562 = vector.shape_cast %get3A_561 : vector<16xi32> to vector<16xi32>
    %add3A_563 = arith.constant 400 : i32
    %add3A_564 = arith.addi %add3A_35, %add3A_563 : i32
    %add3A_565 = vector.broadcast %add3A_564 : i32 to vector<16xi32>
    %add3A_566 = arith.addi %add3A_565, %iota3A : vector<16xi32>
    %mul3A_567 = arith.constant 4096 : i32
    %mul3A_568 = vector.broadcast %mul3A_567 : i32 to vector<16xi32>
    %mul3A_569 = arith.muli %add3A_566, %mul3A_568 : vector<16xi32>
    %add3A_570 = arith.addi %mul3A_569, %get3A_562 : vector<16xi32>
    %swap3A_571 = arith.constant 16 : index
    %swap3A_572 = tpu.vector_load %arg9[%swap3A_571] {strides = array<i32>} : memref<128xi32, #tpu.memory_space<vmem>>, vector<16xi32>,
    %swap3A_573 = vector.shape_cast %swap3A_572 : vector<16xi32> to vector<16xi32>
    %swap3A_574 = vector.shape_cast %add3A_570 : vector<16xi32> to vector<16xi32>
    tpu.vector_store %arg9[%swap3A_571], %swap3A_574 {strides = array<i32>} : memref<128xi32, #tpu.memory_space<vmem>>, vector<16xi32>,
    %mul3A_575 = arith.constant 512 : i32
    %mul3A_576 = arith.muli %select_n3A_30, %mul3A_575 : i32
    %add3A_577 = arith.constant 416 : i32
    %add3A_578 = arith.addi %mul3A_576, %add3A_577 : i32
    %get3A_579 = arith.index_cast %add3A_578 : i32 to index
    %get3A_580 = tpu.vector_load %arg5[%get3A_579] {strides = array<i32>} : memref<2048xi32, #tpu.memory_space<vmem>>, vector<16xi32>,
    %get3A_581 = vector.shape_cast %get3A_580 : vector<16xi32> to vector<16xi32>
    %add3A_582 = arith.constant 416 : i32
    %add3A_583 = arith.addi %add3A_35, %add3A_582 : i32
    %add3A_584 = vector.broadcast %add3A_583 : i32 to vector<16xi32>
    %add3A_585 = arith.addi %add3A_584, %iota3A : vector<16xi32>
    %mul3A_586 = arith.constant 4096 : i32
    %mul3A_587 = vector.broadcast %mul3A_586 : i32 to vector<16xi32>
    %mul3A_588 = arith.muli %add3A_585, %mul3A_587 : vector<16xi32>
    %add3A_589 = arith.addi %mul3A_588, %get3A_581 : vector<16xi32>
    %swap3A_590 = arith.constant 32 : index
    %swap3A_591 = tpu.vector_load %arg9[%swap3A_590] {strides = array<i32>} : memref<128xi32, #tpu.memory_space<vmem>>, vector<16xi32>,
    %swap3A_592 = vector.shape_cast %swap3A_591 : vector<16xi32> to vector<16xi32>
    %swap3A_593 = vector.shape_cast %add3A_589 : vector<16xi32> to vector<16xi32>
    tpu.vector_store %arg9[%swap3A_590], %swap3A_593 {strides = array<i32>} : memref<128xi32, #tpu.memory_space<vmem>>, vector<16xi32>,
    %mul3A_594 = arith.constant 512 : i32
    %mul3A_595 = arith.muli %select_n3A_30, %mul3A_594 : i32
    %add3A_596 = arith.constant 432 : i32
    %add3A_597 = arith.addi %mul3A_595, %add3A_596 : i32
    %get3A_598 = arith.index_cast %add3A_597 : i32 to index
    %get3A_599 = tpu.vector_load %arg5[%get3A_598] {strides = array<i32>} : memref<2048xi32, #tpu.memory_space<vmem>>, vector<16xi32>,
    %get3A_600 = vector.shape_cast %get3A_599 : vector<16xi32> to vector<16xi32>
    %add3A_601 = arith.constant 432 : i32
    %add3A_602 = arith.addi %add3A_35, %add3A_601 : i32
    %add3A_603 = vector.broadcast %add3A_602 : i32 to vector<16xi32>
    %add3A_604 = arith.addi %add3A_603, %iota3A : vector<16xi32>
    %mul3A_605 = arith.constant 4096 : i32
    %mul3A_606 = vector.broadcast %mul3A_605 : i32 to vector<16xi32>
    %mul3A_607 = arith.muli %add3A_604, %mul3A_606 : vector<16xi32>
    %add3A_608 = arith.addi %mul3A_607, %get3A_600 : vector<16xi32>
    %swap3A_609 = arith.constant 48 : index
    %swap3A_610 = tpu.vector_load %arg9[%swap3A_609] {strides = array<i32>} : memref<128xi32, #tpu.memory_space<vmem>>, vector<16xi32>,
    %swap3A_611 = vector.shape_cast %swap3A_610 : vector<16xi32> to vector<16xi32>
    %swap3A_612 = vector.shape_cast %add3A_608 : vector<16xi32> to vector<16xi32>
    tpu.vector_store %arg9[%swap3A_609], %swap3A_612 {strides = array<i32>} : memref<128xi32, #tpu.memory_space<vmem>>, vector<16xi32>,
    %mul3A_613 = arith.constant 512 : i32
    %mul3A_614 = arith.muli %select_n3A_30, %mul3A_613 : i32
    %add3A_615 = arith.constant 448 : i32
    %add3A_616 = arith.addi %mul3A_614, %add3A_615 : i32
    %get3A_617 = arith.index_cast %add3A_616 : i32 to index
    %get3A_618 = tpu.vector_load %arg5[%get3A_617] {strides = array<i32>} : memref<2048xi32, #tpu.memory_space<vmem>>, vector<16xi32>,
    %get3A_619 = vector.shape_cast %get3A_618 : vector<16xi32> to vector<16xi32>
    %add3A_620 = arith.constant 448 : i32
    %add3A_621 = arith.addi %add3A_35, %add3A_620 : i32
    %add3A_622 = vector.broadcast %add3A_621 : i32 to vector<16xi32>
    %add3A_623 = arith.addi %add3A_622, %iota3A : vector<16xi32>
    %mul3A_624 = arith.constant 4096 : i32
    %mul3A_625 = vector.broadcast %mul3A_624 : i32 to vector<16xi32>
    %mul3A_626 = arith.muli %add3A_623, %mul3A_625 : vector<16xi32>
    %add3A_627 = arith.addi %mul3A_626, %get3A_619 : vector<16xi32>
    %swap3A_628 = arith.constant 64 : index
    %swap3A_629 = tpu.vector_load %arg9[%swap3A_628] {strides = array<i32>} : memref<128xi32, #tpu.memory_space<vmem>>, vector<16xi32>,
    %swap3A_630 = vector.shape_cast %swap3A_629 : vector<16xi32> to vector<16xi32>
    %swap3A_631 = vector.shape_cast %add3A_627 : vector<16xi32> to vector<16xi32>
    tpu.vector_store %arg9[%swap3A_628], %swap3A_631 {strides = array<i32>} : memref<128xi32, #tpu.memory_space<vmem>>, vector<16xi32>,
    %mul3A_632 = arith.constant 512 : i32
    %mul3A_633 = arith.muli %select_n3A_30, %mul3A_632 : i32
    %add3A_634 = arith.constant 464 : i32
    %add3A_635 = arith.addi %mul3A_633, %add3A_634 : i32
    %get3A_636 = arith.index_cast %add3A_635 : i32 to index
    %get3A_637 = tpu.vector_load %arg5[%get3A_636] {strides = array<i32>} : memref<2048xi32, #tpu.memory_space<vmem>>, vector<16xi32>,
    %get3A_638 = vector.shape_cast %get3A_637 : vector<16xi32> to vector<16xi32>
    %add3A_639 = arith.constant 464 : i32
    %add3A_640 = arith.addi %add3A_35, %add3A_639 : i32
    %add3A_641 = vector.broadcast %add3A_640 : i32 to vector<16xi32>
    %add3A_642 = arith.addi %add3A_641, %iota3A : vector<16xi32>
    %mul3A_643 = arith.constant 4096 : i32
    %mul3A_644 = vector.broadcast %mul3A_643 : i32 to vector<16xi32>
    %mul3A_645 = arith.muli %add3A_642, %mul3A_644 : vector<16xi32>
    %add3A_646 = arith.addi %mul3A_645, %get3A_638 : vector<16xi32>
    %swap3A_647 = arith.constant 80 : index
    %swap3A_648 = tpu.vector_load %arg9[%swap3A_647] {strides = array<i32>} : memref<128xi32, #tpu.memory_space<vmem>>, vector<16xi32>,
    %swap3A_649 = vector.shape_cast %swap3A_648 : vector<16xi32> to vector<16xi32>
    %swap3A_650 = vector.shape_cast %add3A_646 : vector<16xi32> to vector<16xi32>
    tpu.vector_store %arg9[%swap3A_647], %swap3A_650 {strides = array<i32>} : memref<128xi32, #tpu.memory_space<vmem>>, vector<16xi32>,
    %mul3A_651 = arith.constant 512 : i32
    %mul3A_652 = arith.muli %select_n3A_30, %mul3A_651 : i32
    %add3A_653 = arith.constant 480 : i32
    %add3A_654 = arith.addi %mul3A_652, %add3A_653 : i32
    %get3A_655 = arith.index_cast %add3A_654 : i32 to index
    %get3A_656 = tpu.vector_load %arg5[%get3A_655] {strides = array<i32>} : memref<2048xi32, #tpu.memory_space<vmem>>, vector<16xi32>,
    %get3A_657 = vector.shape_cast %get3A_656 : vector<16xi32> to vector<16xi32>
    %add3A_658 = arith.constant 480 : i32
    %add3A_659 = arith.addi %add3A_35, %add3A_658 : i32
    %add3A_660 = vector.broadcast %add3A_659 : i32 to vector<16xi32>
    %add3A_661 = arith.addi %add3A_660, %iota3A : vector<16xi32>
    %mul3A_662 = arith.constant 4096 : i32
    %mul3A_663 = vector.broadcast %mul3A_662 : i32 to vector<16xi32>
    %mul3A_664 = arith.muli %add3A_661, %mul3A_663 : vector<16xi32>
    %add3A_665 = arith.addi %mul3A_664, %get3A_657 : vector<16xi32>
    %swap3A_666 = arith.constant 96 : index
    %swap3A_667 = tpu.vector_load %arg9[%swap3A_666] {strides = array<i32>} : memref<128xi32, #tpu.memory_space<vmem>>, vector<16xi32>,
    %swap3A_668 = vector.shape_cast %swap3A_667 : vector<16xi32> to vector<16xi32>
    %swap3A_669 = vector.shape_cast %add3A_665 : vector<16xi32> to vector<16xi32>
    tpu.vector_store %arg9[%swap3A_666], %swap3A_669 {strides = array<i32>} : memref<128xi32, #tpu.memory_space<vmem>>, vector<16xi32>,
    %mul3A_670 = arith.constant 512 : i32
    %mul3A_671 = arith.muli %select_n3A_30, %mul3A_670 : i32
    %add3A_672 = arith.constant 496 : i32
    %add3A_673 = arith.addi %mul3A_671, %add3A_672 : i32
    %get3A_674 = arith.index_cast %add3A_673 : i32 to index
    %get3A_675 = tpu.vector_load %arg5[%get3A_674] {strides = array<i32>} : memref<2048xi32, #tpu.memory_space<vmem>>, vector<16xi32>,
    %get3A_676 = vector.shape_cast %get3A_675 : vector<16xi32> to vector<16xi32>
    %add3A_677 = arith.constant 496 : i32
    %add3A_678 = arith.addi %add3A_35, %add3A_677 : i32
    %add3A_679 = vector.broadcast %add3A_678 : i32 to vector<16xi32>
    %add3A_680 = arith.addi %add3A_679, %iota3A : vector<16xi32>
    %mul3A_681 = arith.constant 4096 : i32
    %mul3A_682 = vector.broadcast %mul3A_681 : i32 to vector<16xi32>
    %mul3A_683 = arith.muli %add3A_680, %mul3A_682 : vector<16xi32>
    %add3A_684 = arith.addi %mul3A_683, %get3A_676 : vector<16xi32>
    %swap3A_685 = arith.constant 112 : index
    %swap3A_686 = tpu.vector_load %arg9[%swap3A_685] {strides = array<i32>} : memref<128xi32, #tpu.memory_space<vmem>>, vector<16xi32>,
    %swap3A_687 = vector.shape_cast %swap3A_686 : vector<16xi32> to vector<16xi32>
    %swap3A_688 = vector.shape_cast %add3A_684 : vector<16xi32> to vector<16xi32>
    tpu.vector_store %arg9[%swap3A_685], %swap3A_688 {strides = array<i32>} : memref<128xi32, #tpu.memory_space<vmem>>, vector<16xi32>,
    %dma_start3A = arith.constant 0 : i32
    %dma_start3A_689 = tpu.memref_slice %arg2[%dma_start3A] : memref<67108864xf32, #tpu.memory_space<hbm>> -> memref<67108864xf32, #tpu.memory_space<hbm>>
    tpu.enqueue_indirect_dma source(%dma_start3A_689 : memref<67108864xf32, #tpu.memory_space<hbm>>) target(%arg10 : memref<128xf32, #tpu.memory_space<vmem>>) offsets(%arg6 : memref<128xi32, #tpu.memory_space<vmem>>) semaphore(%arg15 : memref<!tpu.dma_semaphore, #tpu.memory_space<semaphore_mem>>)
    %dma_start3A_690 = arith.constant 0 : i32
    %dma_start3A_691 = tpu.memref_slice %arg2[%dma_start3A_690] : memref<67108864xf32, #tpu.memory_space<hbm>> -> memref<67108864xf32, #tpu.memory_space<hbm>>
    tpu.enqueue_indirect_dma source(%dma_start3A_691 : memref<67108864xf32, #tpu.memory_space<hbm>>) target(%arg11 : memref<128xf32, #tpu.memory_space<vmem>>) offsets(%arg7 : memref<128xi32, #tpu.memory_space<vmem>>) semaphore(%arg15 : memref<!tpu.dma_semaphore, #tpu.memory_space<semaphore_mem>>)
    %dma_start3A_692 = arith.constant 0 : i32
    %dma_start3A_693 = tpu.memref_slice %arg2[%dma_start3A_692] : memref<67108864xf32, #tpu.memory_space<hbm>> -> memref<67108864xf32, #tpu.memory_space<hbm>>
    tpu.enqueue_indirect_dma source(%dma_start3A_693 : memref<67108864xf32, #tpu.memory_space<hbm>>) target(%arg12 : memref<128xf32, #tpu.memory_space<vmem>>) offsets(%arg8 : memref<128xi32, #tpu.memory_space<vmem>>) semaphore(%arg15 : memref<!tpu.dma_semaphore, #tpu.memory_space<semaphore_mem>>)
    %dma_start3A_694 = arith.constant 0 : i32
    %dma_start3A_695 = tpu.memref_slice %arg2[%dma_start3A_694] : memref<67108864xf32, #tpu.memory_space<hbm>> -> memref<67108864xf32, #tpu.memory_space<hbm>>
    tpu.enqueue_indirect_dma source(%dma_start3A_695 : memref<67108864xf32, #tpu.memory_space<hbm>>) target(%arg13 : memref<128xf32, #tpu.memory_space<vmem>>) offsets(%arg9 : memref<128xi32, #tpu.memory_space<vmem>>) semaphore(%arg15 : memref<!tpu.dma_semaphore, #tpu.memory_space<semaphore_mem>>)
    %dma_wait3A = arith.constant 0 : i32
    %dma_wait3A_696 = tpu.memref_slice %arg2[%dma_wait3A] : memref<67108864xf32, #tpu.memory_space<hbm>> -> memref<67108864xf32, #tpu.memory_space<hbm>>
    tpu.wait_indirect_dma semaphore(%arg15 : memref<!tpu.dma_semaphore, #tpu.memory_space<semaphore_mem>>) src(%dma_wait3A_696 : memref<67108864xf32, #tpu.memory_space<hbm>>) dst(%arg10 : memref<128xf32, #tpu.memory_space<vmem>>)
    %dma_wait3A_697 = arith.constant 0 : i32
    %dma_wait3A_698 = tpu.memref_slice %arg2[%dma_wait3A_697] : memref<67108864xf32, #tpu.memory_space<hbm>> -> memref<67108864xf32, #tpu.memory_space<hbm>>
    tpu.wait_indirect_dma semaphore(%arg15 : memref<!tpu.dma_semaphore, #tpu.memory_space<semaphore_mem>>) src(%dma_wait3A_698 : memref<67108864xf32, #tpu.memory_space<hbm>>) dst(%arg11 : memref<128xf32, #tpu.memory_space<vmem>>)
    %dma_wait3A_699 = arith.constant 0 : i32
    %dma_wait3A_700 = tpu.memref_slice %arg2[%dma_wait3A_699] : memref<67108864xf32, #tpu.memory_space<hbm>> -> memref<67108864xf32, #tpu.memory_space<hbm>>
    tpu.wait_indirect_dma semaphore(%arg15 : memref<!tpu.dma_semaphore, #tpu.memory_space<semaphore_mem>>) src(%dma_wait3A_700 : memref<67108864xf32, #tpu.memory_space<hbm>>) dst(%arg12 : memref<128xf32, #tpu.memory_space<vmem>>)
    %dma_wait3A_701 = arith.constant 0 : i32
    %dma_wait3A_702 = tpu.memref_slice %arg2[%dma_wait3A_701] : memref<67108864xf32, #tpu.memory_space<hbm>> -> memref<67108864xf32, #tpu.memory_space<hbm>>
    tpu.wait_indirect_dma semaphore(%arg15 : memref<!tpu.dma_semaphore, #tpu.memory_space<semaphore_mem>>) src(%dma_wait3A_702 : memref<67108864xf32, #tpu.memory_space<hbm>>) dst(%arg13 : memref<128xf32, #tpu.memory_space<vmem>>)
    %broadcast_in_dim3A_703 = arith.constant 0.000000e+00 : f32
    %broadcast_in_dim3A_704 = vector.broadcast %broadcast_in_dim3A_703 : f32 to vector<16xf32>
    %get3A_705 = arith.constant 0 : index
    %get3A_706 = tpu.vector_load %arg10[%get3A_705] {strides = array<i32>} : memref<128xf32, #tpu.memory_space<vmem>>, vector<16xf32>,
    %get3A_707 = vector.shape_cast %get3A_706 : vector<16xf32> to vector<16xf32>
    %mul3A_708 = arith.constant 512 : i32
    %mul3A_709 = arith.muli %select_n3A_30, %mul3A_708 : i32
    %add3A_710 = arith.constant 0 : i32
    %add3A_711 = arith.addi %mul3A_709, %add3A_710 : i32
    %add3A_712 = vector.broadcast %add3A_711 : i32 to vector<16xi32>
    %add3A_713 = arith.addi %add3A_712, %iota3A : vector<16xi32>
    %lt3A_714 = arith.cmpi slt, %add3A_713, %add3A_82 : vector<16xi32>
    %jit3A_715 = arith.constant 0.000000e+00 : f32
    %broadcast_in_dim3A_716 = vector.broadcast %jit3A_715 : f32 to vector<16xf32>
    %select_n3A_717 = arith.select %lt3A_714, %get3A_707, %broadcast_in_dim3A_716 : vector<16xi1>, vector<16xf32>
    %add3A_718 = arith.addf %broadcast_in_dim3A_704, %select_n3A_717 : vector<16xf32>
    %get3A_719 = arith.constant 16 : index
    %get3A_720 = tpu.vector_load %arg10[%get3A_719] {strides = array<i32>} : memref<128xf32, #tpu.memory_space<vmem>>, vector<16xf32>,
    %get3A_721 = vector.shape_cast %get3A_720 : vector<16xf32> to vector<16xf32>
    %mul3A_722 = arith.constant 512 : i32
    %mul3A_723 = arith.muli %select_n3A_30, %mul3A_722 : i32
    %add3A_724 = arith.constant 16 : i32
    %add3A_725 = arith.addi %mul3A_723, %add3A_724 : i32
    %add3A_726 = vector.broadcast %add3A_725 : i32 to vector<16xi32>
    %add3A_727 = arith.addi %add3A_726, %iota3A : vector<16xi32>
    %lt3A_728 = arith.cmpi slt, %add3A_727, %add3A_82 : vector<16xi32>
    %jit3A_729 = arith.constant 0.000000e+00 : f32
    %broadcast_in_dim3A_730 = vector.broadcast %jit3A_729 : f32 to vector<16xf32>
    %select_n3A_731 = arith.select %lt3A_728, %get3A_721, %broadcast_in_dim3A_730 : vector<16xi1>, vector<16xf32>
    %add3A_732 = arith.addf %add3A_718, %select_n3A_731 : vector<16xf32>
    %get3A_733 = arith.constant 32 : index
    %get3A_734 = tpu.vector_load %arg10[%get3A_733] {strides = array<i32>} : memref<128xf32, #tpu.memory_space<vmem>>, vector<16xf32>,
    %get3A_735 = vector.shape_cast %get3A_734 : vector<16xf32> to vector<16xf32>
    %mul3A_736 = arith.constant 512 : i32
    %mul3A_737 = arith.muli %select_n3A_30, %mul3A_736 : i32
    %add3A_738 = arith.constant 32 : i32
    %add3A_739 = arith.addi %mul3A_737, %add3A_738 : i32
    %add3A_740 = vector.broadcast %add3A_739 : i32 to vector<16xi32>
    %add3A_741 = arith.addi %add3A_740, %iota3A : vector<16xi32>
    %lt3A_742 = arith.cmpi slt, %add3A_741, %add3A_82 : vector<16xi32>
    %jit3A_743 = arith.constant 0.000000e+00 : f32
    %broadcast_in_dim3A_744 = vector.broadcast %jit3A_743 : f32 to vector<16xf32>
    %select_n3A_745 = arith.select %lt3A_742, %get3A_735, %broadcast_in_dim3A_744 : vector<16xi1>, vector<16xf32>
    %add3A_746 = arith.addf %add3A_732, %select_n3A_745 : vector<16xf32>
    %get3A_747 = arith.constant 48 : index
    %get3A_748 = tpu.vector_load %arg10[%get3A_747] {strides = array<i32>} : memref<128xf32, #tpu.memory_space<vmem>>, vector<16xf32>,
    %get3A_749 = vector.shape_cast %get3A_748 : vector<16xf32> to vector<16xf32>
    %mul3A_750 = arith.constant 512 : i32
    %mul3A_751 = arith.muli %select_n3A_30, %mul3A_750 : i32
    %add3A_752 = arith.constant 48 : i32
    %add3A_753 = arith.addi %mul3A_751, %add3A_752 : i32
    %add3A_754 = vector.broadcast %add3A_753 : i32 to vector<16xi32>
    %add3A_755 = arith.addi %add3A_754, %iota3A : vector<16xi32>
    %lt3A_756 = arith.cmpi slt, %add3A_755, %add3A_82 : vector<16xi32>
    %jit3A_757 = arith.constant 0.000000e+00 : f32
    %broadcast_in_dim3A_758 = vector.broadcast %jit3A_757 : f32 to vector<16xf32>
    %select_n3A_759 = arith.select %lt3A_756, %get3A_749, %broadcast_in_dim3A_758 : vector<16xi1>, vector<16xf32>
    %add3A_760 = arith.addf %add3A_746, %select_n3A_759 : vector<16xf32>
    %get3A_761 = arith.constant 64 : index
    %get3A_762 = tpu.vector_load %arg10[%get3A_761] {strides = array<i32>} : memref<128xf32, #tpu.memory_space<vmem>>, vector<16xf32>,
    %get3A_763 = vector.shape_cast %get3A_762 : vector<16xf32> to vector<16xf32>
    %mul3A_764 = arith.constant 512 : i32
    %mul3A_765 = arith.muli %select_n3A_30, %mul3A_764 : i32
    %add3A_766 = arith.constant 64 : i32
    %add3A_767 = arith.addi %mul3A_765, %add3A_766 : i32
    %add3A_768 = vector.broadcast %add3A_767 : i32 to vector<16xi32>
    %add3A_769 = arith.addi %add3A_768, %iota3A : vector<16xi32>
    %lt3A_770 = arith.cmpi slt, %add3A_769, %add3A_82 : vector<16xi32>
    %jit3A_771 = arith.constant 0.000000e+00 : f32
    %broadcast_in_dim3A_772 = vector.broadcast %jit3A_771 : f32 to vector<16xf32>
    %select_n3A_773 = arith.select %lt3A_770, %get3A_763, %broadcast_in_dim3A_772 : vector<16xi1>, vector<16xf32>
    %add3A_774 = arith.addf %add3A_760, %select_n3A_773 : vector<16xf32>
    %get3A_775 = arith.constant 80 : index
    %get3A_776 = tpu.vector_load %arg10[%get3A_775] {strides = array<i32>} : memref<128xf32, #tpu.memory_space<vmem>>, vector<16xf32>,
    %get3A_777 = vector.shape_cast %get3A_776 : vector<16xf32> to vector<16xf32>
    %mul3A_778 = arith.constant 512 : i32
    %mul3A_779 = arith.muli %select_n3A_30, %mul3A_778 : i32
    %add3A_780 = arith.constant 80 : i32
    %add3A_781 = arith.addi %mul3A_779, %add3A_780 : i32
    %add3A_782 = vector.broadcast %add3A_781 : i32 to vector<16xi32>
    %add3A_783 = arith.addi %add3A_782, %iota3A : vector<16xi32>
    %lt3A_784 = arith.cmpi slt, %add3A_783, %add3A_82 : vector<16xi32>
    %jit3A_785 = arith.constant 0.000000e+00 : f32
    %broadcast_in_dim3A_786 = vector.broadcast %jit3A_785 : f32 to vector<16xf32>
    %select_n3A_787 = arith.select %lt3A_784, %get3A_777, %broadcast_in_dim3A_786 : vector<16xi1>, vector<16xf32>
    %add3A_788 = arith.addf %add3A_774, %select_n3A_787 : vector<16xf32>
    %get3A_789 = arith.constant 96 : index
    %get3A_790 = tpu.vector_load %arg10[%get3A_789] {strides = array<i32>} : memref<128xf32, #tpu.memory_space<vmem>>, vector<16xf32>,
    %get3A_791 = vector.shape_cast %get3A_790 : vector<16xf32> to vector<16xf32>
    %mul3A_792 = arith.constant 512 : i32
    %mul3A_793 = arith.muli %select_n3A_30, %mul3A_792 : i32
    %add3A_794 = arith.constant 96 : i32
    %add3A_795 = arith.addi %mul3A_793, %add3A_794 : i32
    %add3A_796 = vector.broadcast %add3A_795 : i32 to vector<16xi32>
    %add3A_797 = arith.addi %add3A_796, %iota3A : vector<16xi32>
    %lt3A_798 = arith.cmpi slt, %add3A_797, %add3A_82 : vector<16xi32>
    %jit3A_799 = arith.constant 0.000000e+00 : f32
    %broadcast_in_dim3A_800 = vector.broadcast %jit3A_799 : f32 to vector<16xf32>
    %select_n3A_801 = arith.select %lt3A_798, %get3A_791, %broadcast_in_dim3A_800 : vector<16xi1>, vector<16xf32>
    %add3A_802 = arith.addf %add3A_788, %select_n3A_801 : vector<16xf32>
    %get3A_803 = arith.constant 112 : index
    %get3A_804 = tpu.vector_load %arg10[%get3A_803] {strides = array<i32>} : memref<128xf32, #tpu.memory_space<vmem>>, vector<16xf32>,
    %get3A_805 = vector.shape_cast %get3A_804 : vector<16xf32> to vector<16xf32>
    %mul3A_806 = arith.constant 512 : i32
    %mul3A_807 = arith.muli %select_n3A_30, %mul3A_806 : i32
    %add3A_808 = arith.constant 112 : i32
    %add3A_809 = arith.addi %mul3A_807, %add3A_808 : i32
    %add3A_810 = vector.broadcast %add3A_809 : i32 to vector<16xi32>
    %add3A_811 = arith.addi %add3A_810, %iota3A : vector<16xi32>
    %lt3A_812 = arith.cmpi slt, %add3A_811, %add3A_82 : vector<16xi32>
    %jit3A_813 = arith.constant 0.000000e+00 : f32
    %broadcast_in_dim3A_814 = vector.broadcast %jit3A_813 : f32 to vector<16xf32>
    %select_n3A_815 = arith.select %lt3A_812, %get3A_805, %broadcast_in_dim3A_814 : vector<16xi1>, vector<16xf32>
    %add3A_816 = arith.addf %add3A_802, %select_n3A_815 : vector<16xf32>
    %get3A_817 = arith.constant 0 : index
    %get3A_818 = tpu.vector_load %arg11[%get3A_817] {strides = array<i32>} : memref<128xf32, #tpu.memory_space<vmem>>, vector<16xf32>,
    %get3A_819 = vector.shape_cast %get3A_818 : vector<16xf32> to vector<16xf32>
    %mul3A_820 = arith.constant 512 : i32
    %mul3A_821 = arith.muli %select_n3A_30, %mul3A_820 : i32
    %add3A_822 = arith.constant 128 : i32
    %add3A_823 = arith.addi %mul3A_821, %add3A_822 : i32
    %add3A_824 = vector.broadcast %add3A_823 : i32 to vector<16xi32>
    %add3A_825 = arith.addi %add3A_824, %iota3A : vector<16xi32>
    %lt3A_826 = arith.cmpi slt, %add3A_825, %add3A_82 : vector<16xi32>
    %jit3A_827 = arith.constant 0.000000e+00 : f32
    %broadcast_in_dim3A_828 = vector.broadcast %jit3A_827 : f32 to vector<16xf32>
    %select_n3A_829 = arith.select %lt3A_826, %get3A_819, %broadcast_in_dim3A_828 : vector<16xi1>, vector<16xf32>
    %add3A_830 = arith.addf %add3A_816, %select_n3A_829 : vector<16xf32>
    %get3A_831 = arith.constant 16 : index
    %get3A_832 = tpu.vector_load %arg11[%get3A_831] {strides = array<i32>} : memref<128xf32, #tpu.memory_space<vmem>>, vector<16xf32>,
    %get3A_833 = vector.shape_cast %get3A_832 : vector<16xf32> to vector<16xf32>
    %mul3A_834 = arith.constant 512 : i32
    %mul3A_835 = arith.muli %select_n3A_30, %mul3A_834 : i32
    %add3A_836 = arith.constant 144 : i32
    %add3A_837 = arith.addi %mul3A_835, %add3A_836 : i32
    %add3A_838 = vector.broadcast %add3A_837 : i32 to vector<16xi32>
    %add3A_839 = arith.addi %add3A_838, %iota3A : vector<16xi32>
    %lt3A_840 = arith.cmpi slt, %add3A_839, %add3A_82 : vector<16xi32>
    %jit3A_841 = arith.constant 0.000000e+00 : f32
    %broadcast_in_dim3A_842 = vector.broadcast %jit3A_841 : f32 to vector<16xf32>
    %select_n3A_843 = arith.select %lt3A_840, %get3A_833, %broadcast_in_dim3A_842 : vector<16xi1>, vector<16xf32>
    %add3A_844 = arith.addf %add3A_830, %select_n3A_843 : vector<16xf32>
    %get3A_845 = arith.constant 32 : index
    %get3A_846 = tpu.vector_load %arg11[%get3A_845] {strides = array<i32>} : memref<128xf32, #tpu.memory_space<vmem>>, vector<16xf32>,
    %get3A_847 = vector.shape_cast %get3A_846 : vector<16xf32> to vector<16xf32>
    %mul3A_848 = arith.constant 512 : i32
    %mul3A_849 = arith.muli %select_n3A_30, %mul3A_848 : i32
    %add3A_850 = arith.constant 160 : i32
    %add3A_851 = arith.addi %mul3A_849, %add3A_850 : i32
    %add3A_852 = vector.broadcast %add3A_851 : i32 to vector<16xi32>
    %add3A_853 = arith.addi %add3A_852, %iota3A : vector<16xi32>
    %lt3A_854 = arith.cmpi slt, %add3A_853, %add3A_82 : vector<16xi32>
    %jit3A_855 = arith.constant 0.000000e+00 : f32
    %broadcast_in_dim3A_856 = vector.broadcast %jit3A_855 : f32 to vector<16xf32>
    %select_n3A_857 = arith.select %lt3A_854, %get3A_847, %broadcast_in_dim3A_856 : vector<16xi1>, vector<16xf32>
    %add3A_858 = arith.addf %add3A_844, %select_n3A_857 : vector<16xf32>
    %get3A_859 = arith.constant 48 : index
    %get3A_860 = tpu.vector_load %arg11[%get3A_859] {strides = array<i32>} : memref<128xf32, #tpu.memory_space<vmem>>, vector<16xf32>,
    %get3A_861 = vector.shape_cast %get3A_860 : vector<16xf32> to vector<16xf32>
    %mul3A_862 = arith.constant 512 : i32
    %mul3A_863 = arith.muli %select_n3A_30, %mul3A_862 : i32
    %add3A_864 = arith.constant 176 : i32
    %add3A_865 = arith.addi %mul3A_863, %add3A_864 : i32
    %add3A_866 = vector.broadcast %add3A_865 : i32 to vector<16xi32>
    %add3A_867 = arith.addi %add3A_866, %iota3A : vector<16xi32>
    %lt3A_868 = arith.cmpi slt, %add3A_867, %add3A_82 : vector<16xi32>
    %jit3A_869 = arith.constant 0.000000e+00 : f32
    %broadcast_in_dim3A_870 = vector.broadcast %jit3A_869 : f32 to vector<16xf32>
    %select_n3A_871 = arith.select %lt3A_868, %get3A_861, %broadcast_in_dim3A_870 : vector<16xi1>, vector<16xf32>
    %add3A_872 = arith.addf %add3A_858, %select_n3A_871 : vector<16xf32>
    %get3A_873 = arith.constant 64 : index
    %get3A_874 = tpu.vector_load %arg11[%get3A_873] {strides = array<i32>} : memref<128xf32, #tpu.memory_space<vmem>>, vector<16xf32>,
    %get3A_875 = vector.shape_cast %get3A_874 : vector<16xf32> to vector<16xf32>
    %mul3A_876 = arith.constant 512 : i32
    %mul3A_877 = arith.muli %select_n3A_30, %mul3A_876 : i32
    %add3A_878 = arith.constant 192 : i32
    %add3A_879 = arith.addi %mul3A_877, %add3A_878 : i32
    %add3A_880 = vector.broadcast %add3A_879 : i32 to vector<16xi32>
    %add3A_881 = arith.addi %add3A_880, %iota3A : vector<16xi32>
    %lt3A_882 = arith.cmpi slt, %add3A_881, %add3A_82 : vector<16xi32>
    %jit3A_883 = arith.constant 0.000000e+00 : f32
    %broadcast_in_dim3A_884 = vector.broadcast %jit3A_883 : f32 to vector<16xf32>
    %select_n3A_885 = arith.select %lt3A_882, %get3A_875, %broadcast_in_dim3A_884 : vector<16xi1>, vector<16xf32>
    %add3A_886 = arith.addf %add3A_872, %select_n3A_885 : vector<16xf32>
    %get3A_887 = arith.constant 80 : index
    %get3A_888 = tpu.vector_load %arg11[%get3A_887] {strides = array<i32>} : memref<128xf32, #tpu.memory_space<vmem>>, vector<16xf32>,
    %get3A_889 = vector.shape_cast %get3A_888 : vector<16xf32> to vector<16xf32>
    %mul3A_890 = arith.constant 512 : i32
    %mul3A_891 = arith.muli %select_n3A_30, %mul3A_890 : i32
    %add3A_892 = arith.constant 208 : i32
    %add3A_893 = arith.addi %mul3A_891, %add3A_892 : i32
    %add3A_894 = vector.broadcast %add3A_893 : i32 to vector<16xi32>
    %add3A_895 = arith.addi %add3A_894, %iota3A : vector<16xi32>
    %lt3A_896 = arith.cmpi slt, %add3A_895, %add3A_82 : vector<16xi32>
    %jit3A_897 = arith.constant 0.000000e+00 : f32
    %broadcast_in_dim3A_898 = vector.broadcast %jit3A_897 : f32 to vector<16xf32>
    %select_n3A_899 = arith.select %lt3A_896, %get3A_889, %broadcast_in_dim3A_898 : vector<16xi1>, vector<16xf32>
    %add3A_900 = arith.addf %add3A_886, %select_n3A_899 : vector<16xf32>
    %get3A_901 = arith.constant 96 : index
    %get3A_902 = tpu.vector_load %arg11[%get3A_901] {strides = array<i32>} : memref<128xf32, #tpu.memory_space<vmem>>, vector<16xf32>,
    %get3A_903 = vector.shape_cast %get3A_902 : vector<16xf32> to vector<16xf32>
    %mul3A_904 = arith.constant 512 : i32
    %mul3A_905 = arith.muli %select_n3A_30, %mul3A_904 : i32
    %add3A_906 = arith.constant 224 : i32
    %add3A_907 = arith.addi %mul3A_905, %add3A_906 : i32
    %add3A_908 = vector.broadcast %add3A_907 : i32 to vector<16xi32>
    %add3A_909 = arith.addi %add3A_908, %iota3A : vector<16xi32>
    %lt3A_910 = arith.cmpi slt, %add3A_909, %add3A_82 : vector<16xi32>
    %jit3A_911 = arith.constant 0.000000e+00 : f32
    %broadcast_in_dim3A_912 = vector.broadcast %jit3A_911 : f32 to vector<16xf32>
    %select_n3A_913 = arith.select %lt3A_910, %get3A_903, %broadcast_in_dim3A_912 : vector<16xi1>, vector<16xf32>
    %add3A_914 = arith.addf %add3A_900, %select_n3A_913 : vector<16xf32>
    %get3A_915 = arith.constant 112 : index
    %get3A_916 = tpu.vector_load %arg11[%get3A_915] {strides = array<i32>} : memref<128xf32, #tpu.memory_space<vmem>>, vector<16xf32>,
    %get3A_917 = vector.shape_cast %get3A_916 : vector<16xf32> to vector<16xf32>
    %mul3A_918 = arith.constant 512 : i32
    %mul3A_919 = arith.muli %select_n3A_30, %mul3A_918 : i32
    %add3A_920 = arith.constant 240 : i32
    %add3A_921 = arith.addi %mul3A_919, %add3A_920 : i32
    %add3A_922 = vector.broadcast %add3A_921 : i32 to vector<16xi32>
    %add3A_923 = arith.addi %add3A_922, %iota3A : vector<16xi32>
    %lt3A_924 = arith.cmpi slt, %add3A_923, %add3A_82 : vector<16xi32>
    %jit3A_925 = arith.constant 0.000000e+00 : f32
    %broadcast_in_dim3A_926 = vector.broadcast %jit3A_925 : f32 to vector<16xf32>
    %select_n3A_927 = arith.select %lt3A_924, %get3A_917, %broadcast_in_dim3A_926 : vector<16xi1>, vector<16xf32>
    %add3A_928 = arith.addf %add3A_914, %select_n3A_927 : vector<16xf32>
    %get3A_929 = arith.constant 0 : index
    %get3A_930 = tpu.vector_load %arg12[%get3A_929] {strides = array<i32>} : memref<128xf32, #tpu.memory_space<vmem>>, vector<16xf32>,
    %get3A_931 = vector.shape_cast %get3A_930 : vector<16xf32> to vector<16xf32>
    %mul3A_932 = arith.constant 512 : i32
    %mul3A_933 = arith.muli %select_n3A_30, %mul3A_932 : i32
    %add3A_934 = arith.constant 256 : i32
    %add3A_935 = arith.addi %mul3A_933, %add3A_934 : i32
    %add3A_936 = vector.broadcast %add3A_935 : i32 to vector<16xi32>
    %add3A_937 = arith.addi %add3A_936, %iota3A : vector<16xi32>
    %lt3A_938 = arith.cmpi slt, %add3A_937, %add3A_82 : vector<16xi32>
    %jit3A_939 = arith.constant 0.000000e+00 : f32
    %broadcast_in_dim3A_940 = vector.broadcast %jit3A_939 : f32 to vector<16xf32>
    %select_n3A_941 = arith.select %lt3A_938, %get3A_931, %broadcast_in_dim3A_940 : vector<16xi1>, vector<16xf32>
    %add3A_942 = arith.addf %add3A_928, %select_n3A_941 : vector<16xf32>
    %get3A_943 = arith.constant 16 : index
    %get3A_944 = tpu.vector_load %arg12[%get3A_943] {strides = array<i32>} : memref<128xf32, #tpu.memory_space<vmem>>, vector<16xf32>,
    %get3A_945 = vector.shape_cast %get3A_944 : vector<16xf32> to vector<16xf32>
    %mul3A_946 = arith.constant 512 : i32
    %mul3A_947 = arith.muli %select_n3A_30, %mul3A_946 : i32
    %add3A_948 = arith.constant 272 : i32
    %add3A_949 = arith.addi %mul3A_947, %add3A_948 : i32
    %add3A_950 = vector.broadcast %add3A_949 : i32 to vector<16xi32>
    %add3A_951 = arith.addi %add3A_950, %iota3A : vector<16xi32>
    %lt3A_952 = arith.cmpi slt, %add3A_951, %add3A_82 : vector<16xi32>
    %jit3A_953 = arith.constant 0.000000e+00 : f32
    %broadcast_in_dim3A_954 = vector.broadcast %jit3A_953 : f32 to vector<16xf32>
    %select_n3A_955 = arith.select %lt3A_952, %get3A_945, %broadcast_in_dim3A_954 : vector<16xi1>, vector<16xf32>
    %add3A_956 = arith.addf %add3A_942, %select_n3A_955 : vector<16xf32>
    %get3A_957 = arith.constant 32 : index
    %get3A_958 = tpu.vector_load %arg12[%get3A_957] {strides = array<i32>} : memref<128xf32, #tpu.memory_space<vmem>>, vector<16xf32>,
    %get3A_959 = vector.shape_cast %get3A_958 : vector<16xf32> to vector<16xf32>
    %mul3A_960 = arith.constant 512 : i32
    %mul3A_961 = arith.muli %select_n3A_30, %mul3A_960 : i32
    %add3A_962 = arith.constant 288 : i32
    %add3A_963 = arith.addi %mul3A_961, %add3A_962 : i32
    %add3A_964 = vector.broadcast %add3A_963 : i32 to vector<16xi32>
    %add3A_965 = arith.addi %add3A_964, %iota3A : vector<16xi32>
    %lt3A_966 = arith.cmpi slt, %add3A_965, %add3A_82 : vector<16xi32>
    %jit3A_967 = arith.constant 0.000000e+00 : f32
    %broadcast_in_dim3A_968 = vector.broadcast %jit3A_967 : f32 to vector<16xf32>
    %select_n3A_969 = arith.select %lt3A_966, %get3A_959, %broadcast_in_dim3A_968 : vector<16xi1>, vector<16xf32>
    %add3A_970 = arith.addf %add3A_956, %select_n3A_969 : vector<16xf32>
    %get3A_971 = arith.constant 48 : index
    %get3A_972 = tpu.vector_load %arg12[%get3A_971] {strides = array<i32>} : memref<128xf32, #tpu.memory_space<vmem>>, vector<16xf32>,
    %get3A_973 = vector.shape_cast %get3A_972 : vector<16xf32> to vector<16xf32>
    %mul3A_974 = arith.constant 512 : i32
    %mul3A_975 = arith.muli %select_n3A_30, %mul3A_974 : i32
    %add3A_976 = arith.constant 304 : i32
    %add3A_977 = arith.addi %mul3A_975, %add3A_976 : i32
    %add3A_978 = vector.broadcast %add3A_977 : i32 to vector<16xi32>
    %add3A_979 = arith.addi %add3A_978, %iota3A : vector<16xi32>
    %lt3A_980 = arith.cmpi slt, %add3A_979, %add3A_82 : vector<16xi32>
    %jit3A_981 = arith.constant 0.000000e+00 : f32
    %broadcast_in_dim3A_982 = vector.broadcast %jit3A_981 : f32 to vector<16xf32>
    %select_n3A_983 = arith.select %lt3A_980, %get3A_973, %broadcast_in_dim3A_982 : vector<16xi1>, vector<16xf32>
    %add3A_984 = arith.addf %add3A_970, %select_n3A_983 : vector<16xf32>
    %get3A_985 = arith.constant 64 : index
    %get3A_986 = tpu.vector_load %arg12[%get3A_985] {strides = array<i32>} : memref<128xf32, #tpu.memory_space<vmem>>, vector<16xf32>,
    %get3A_987 = vector.shape_cast %get3A_986 : vector<16xf32> to vector<16xf32>
    %mul3A_988 = arith.constant 512 : i32
    %mul3A_989 = arith.muli %select_n3A_30, %mul3A_988 : i32
    %add3A_990 = arith.constant 320 : i32
    %add3A_991 = arith.addi %mul3A_989, %add3A_990 : i32
    %add3A_992 = vector.broadcast %add3A_991 : i32 to vector<16xi32>
    %add3A_993 = arith.addi %add3A_992, %iota3A : vector<16xi32>
    %lt3A_994 = arith.cmpi slt, %add3A_993, %add3A_82 : vector<16xi32>
    %jit3A_995 = arith.constant 0.000000e+00 : f32
    %broadcast_in_dim3A_996 = vector.broadcast %jit3A_995 : f32 to vector<16xf32>
    %select_n3A_997 = arith.select %lt3A_994, %get3A_987, %broadcast_in_dim3A_996 : vector<16xi1>, vector<16xf32>
    %add3A_998 = arith.addf %add3A_984, %select_n3A_997 : vector<16xf32>
    %get3A_999 = arith.constant 80 : index
    %get3A_1000 = tpu.vector_load %arg12[%get3A_999] {strides = array<i32>} : memref<128xf32, #tpu.memory_space<vmem>>, vector<16xf32>,
    %get3A_1001 = vector.shape_cast %get3A_1000 : vector<16xf32> to vector<16xf32>
    %mul3A_1002 = arith.constant 512 : i32
    %mul3A_1003 = arith.muli %select_n3A_30, %mul3A_1002 : i32
    %add3A_1004 = arith.constant 336 : i32
    %add3A_1005 = arith.addi %mul3A_1003, %add3A_1004 : i32
    %add3A_1006 = vector.broadcast %add3A_1005 : i32 to vector<16xi32>
    %add3A_1007 = arith.addi %add3A_1006, %iota3A : vector<16xi32>
    %lt3A_1008 = arith.cmpi slt, %add3A_1007, %add3A_82 : vector<16xi32>
    %jit3A_1009 = arith.constant 0.000000e+00 : f32
    %broadcast_in_dim3A_1010 = vector.broadcast %jit3A_1009 : f32 to vector<16xf32>
    %select_n3A_1011 = arith.select %lt3A_1008, %get3A_1001, %broadcast_in_dim3A_1010 : vector<16xi1>, vector<16xf32>
    %add3A_1012 = arith.addf %add3A_998, %select_n3A_1011 : vector<16xf32>
    %get3A_1013 = arith.constant 96 : index
    %get3A_1014 = tpu.vector_load %arg12[%get3A_1013] {strides = array<i32>} : memref<128xf32, #tpu.memory_space<vmem>>, vector<16xf32>,
    %get3A_1015 = vector.shape_cast %get3A_1014 : vector<16xf32> to vector<16xf32>
    %mul3A_1016 = arith.constant 512 : i32
    %mul3A_1017 = arith.muli %select_n3A_30, %mul3A_1016 : i32
    %add3A_1018 = arith.constant 352 : i32
    %add3A_1019 = arith.addi %mul3A_1017, %add3A_1018 : i32
    %add3A_1020 = vector.broadcast %add3A_1019 : i32 to vector<16xi32>
    %add3A_1021 = arith.addi %add3A_1020, %iota3A : vector<16xi32>
    %lt3A_1022 = arith.cmpi slt, %add3A_1021, %add3A_82 : vector<16xi32>
    %jit3A_1023 = arith.constant 0.000000e+00 : f32
    %broadcast_in_dim3A_1024 = vector.broadcast %jit3A_1023 : f32 to vector<16xf32>
    %select_n3A_1025 = arith.select %lt3A_1022, %get3A_1015, %broadcast_in_dim3A_1024 : vector<16xi1>, vector<16xf32>
    %add3A_1026 = arith.addf %add3A_1012, %select_n3A_1025 : vector<16xf32>
    %get3A_1027 = arith.constant 112 : index
    %get3A_1028 = tpu.vector_load %arg12[%get3A_1027] {strides = array<i32>} : memref<128xf32, #tpu.memory_space<vmem>>, vector<16xf32>,
    %get3A_1029 = vector.shape_cast %get3A_1028 : vector<16xf32> to vector<16xf32>
    %mul3A_1030 = arith.constant 512 : i32
    %mul3A_1031 = arith.muli %select_n3A_30, %mul3A_1030 : i32
    %add3A_1032 = arith.constant 368 : i32
    %add3A_1033 = arith.addi %mul3A_1031, %add3A_1032 : i32
    %add3A_1034 = vector.broadcast %add3A_1033 : i32 to vector<16xi32>
    %add3A_1035 = arith.addi %add3A_1034, %iota3A : vector<16xi32>
    %lt3A_1036 = arith.cmpi slt, %add3A_1035, %add3A_82 : vector<16xi32>
    %jit3A_1037 = arith.constant 0.000000e+00 : f32
    %broadcast_in_dim3A_1038 = vector.broadcast %jit3A_1037 : f32 to vector<16xf32>
    %select_n3A_1039 = arith.select %lt3A_1036, %get3A_1029, %broadcast_in_dim3A_1038 : vector<16xi1>, vector<16xf32>
    %add3A_1040 = arith.addf %add3A_1026, %select_n3A_1039 : vector<16xf32>
    %get3A_1041 = arith.constant 0 : index
    %get3A_1042 = tpu.vector_load %arg13[%get3A_1041] {strides = array<i32>} : memref<128xf32, #tpu.memory_space<vmem>>, vector<16xf32>,
    %get3A_1043 = vector.shape_cast %get3A_1042 : vector<16xf32> to vector<16xf32>
    %mul3A_1044 = arith.constant 512 : i32
    %mul3A_1045 = arith.muli %select_n3A_30, %mul3A_1044 : i32
    %add3A_1046 = arith.constant 384 : i32
    %add3A_1047 = arith.addi %mul3A_1045, %add3A_1046 : i32
    %add3A_1048 = vector.broadcast %add3A_1047 : i32 to vector<16xi32>
    %add3A_1049 = arith.addi %add3A_1048, %iota3A : vector<16xi32>
    %lt3A_1050 = arith.cmpi slt, %add3A_1049, %add3A_82 : vector<16xi32>
    %jit3A_1051 = arith.constant 0.000000e+00 : f32
    %broadcast_in_dim3A_1052 = vector.broadcast %jit3A_1051 : f32 to vector<16xf32>
    %select_n3A_1053 = arith.select %lt3A_1050, %get3A_1043, %broadcast_in_dim3A_1052 : vector<16xi1>, vector<16xf32>
    %add3A_1054 = arith.addf %add3A_1040, %select_n3A_1053 : vector<16xf32>
    %get3A_1055 = arith.constant 16 : index
    %get3A_1056 = tpu.vector_load %arg13[%get3A_1055] {strides = array<i32>} : memref<128xf32, #tpu.memory_space<vmem>>, vector<16xf32>,
    %get3A_1057 = vector.shape_cast %get3A_1056 : vector<16xf32> to vector<16xf32>
    %mul3A_1058 = arith.constant 512 : i32
    %mul3A_1059 = arith.muli %select_n3A_30, %mul3A_1058 : i32
    %add3A_1060 = arith.constant 400 : i32
    %add3A_1061 = arith.addi %mul3A_1059, %add3A_1060 : i32
    %add3A_1062 = vector.broadcast %add3A_1061 : i32 to vector<16xi32>
    %add3A_1063 = arith.addi %add3A_1062, %iota3A : vector<16xi32>
    %lt3A_1064 = arith.cmpi slt, %add3A_1063, %add3A_82 : vector<16xi32>
    %jit3A_1065 = arith.constant 0.000000e+00 : f32
    %broadcast_in_dim3A_1066 = vector.broadcast %jit3A_1065 : f32 to vector<16xf32>
    %select_n3A_1067 = arith.select %lt3A_1064, %get3A_1057, %broadcast_in_dim3A_1066 : vector<16xi1>, vector<16xf32>
    %add3A_1068 = arith.addf %add3A_1054, %select_n3A_1067 : vector<16xf32>
    %get3A_1069 = arith.constant 32 : index
    %get3A_1070 = tpu.vector_load %arg13[%get3A_1069] {strides = array<i32>} : memref<128xf32, #tpu.memory_space<vmem>>, vector<16xf32>,
    %get3A_1071 = vector.shape_cast %get3A_1070 : vector<16xf32> to vector<16xf32>
    %mul3A_1072 = arith.constant 512 : i32
    %mul3A_1073 = arith.muli %select_n3A_30, %mul3A_1072 : i32
    %add3A_1074 = arith.constant 416 : i32
    %add3A_1075 = arith.addi %mul3A_1073, %add3A_1074 : i32
    %add3A_1076 = vector.broadcast %add3A_1075 : i32 to vector<16xi32>
    %add3A_1077 = arith.addi %add3A_1076, %iota3A : vector<16xi32>
    %lt3A_1078 = arith.cmpi slt, %add3A_1077, %add3A_82 : vector<16xi32>
    %jit3A_1079 = arith.constant 0.000000e+00 : f32
    %broadcast_in_dim3A_1080 = vector.broadcast %jit3A_1079 : f32 to vector<16xf32>
    %select_n3A_1081 = arith.select %lt3A_1078, %get3A_1071, %broadcast_in_dim3A_1080 : vector<16xi1>, vector<16xf32>
    %add3A_1082 = arith.addf %add3A_1068, %select_n3A_1081 : vector<16xf32>
    %get3A_1083 = arith.constant 48 : index
    %get3A_1084 = tpu.vector_load %arg13[%get3A_1083] {strides = array<i32>} : memref<128xf32, #tpu.memory_space<vmem>>, vector<16xf32>,
    %get3A_1085 = vector.shape_cast %get3A_1084 : vector<16xf32> to vector<16xf32>
    %mul3A_1086 = arith.constant 512 : i32
    %mul3A_1087 = arith.muli %select_n3A_30, %mul3A_1086 : i32
    %add3A_1088 = arith.constant 432 : i32
    %add3A_1089 = arith.addi %mul3A_1087, %add3A_1088 : i32
    %add3A_1090 = vector.broadcast %add3A_1089 : i32 to vector<16xi32>
    %add3A_1091 = arith.addi %add3A_1090, %iota3A : vector<16xi32>
    %lt3A_1092 = arith.cmpi slt, %add3A_1091, %add3A_82 : vector<16xi32>
    %jit3A_1093 = arith.constant 0.000000e+00 : f32
    %broadcast_in_dim3A_1094 = vector.broadcast %jit3A_1093 : f32 to vector<16xf32>
    %select_n3A_1095 = arith.select %lt3A_1092, %get3A_1085, %broadcast_in_dim3A_1094 : vector<16xi1>, vector<16xf32>
    %add3A_1096 = arith.addf %add3A_1082, %select_n3A_1095 : vector<16xf32>
    %get3A_1097 = arith.constant 64 : index
    %get3A_1098 = tpu.vector_load %arg13[%get3A_1097] {strides = array<i32>} : memref<128xf32, #tpu.memory_space<vmem>>, vector<16xf32>,
    %get3A_1099 = vector.shape_cast %get3A_1098 : vector<16xf32> to vector<16xf32>
    %mul3A_1100 = arith.constant 512 : i32
    %mul3A_1101 = arith.muli %select_n3A_30, %mul3A_1100 : i32
    %add3A_1102 = arith.constant 448 : i32
    %add3A_1103 = arith.addi %mul3A_1101, %add3A_1102 : i32
    %add3A_1104 = vector.broadcast %add3A_1103 : i32 to vector<16xi32>
    %add3A_1105 = arith.addi %add3A_1104, %iota3A : vector<16xi32>
    %lt3A_1106 = arith.cmpi slt, %add3A_1105, %add3A_82 : vector<16xi32>
    %jit3A_1107 = arith.constant 0.000000e+00 : f32
    %broadcast_in_dim3A_1108 = vector.broadcast %jit3A_1107 : f32 to vector<16xf32>
    %select_n3A_1109 = arith.select %lt3A_1106, %get3A_1099, %broadcast_in_dim3A_1108 : vector<16xi1>, vector<16xf32>
    %add3A_1110 = arith.addf %add3A_1096, %select_n3A_1109 : vector<16xf32>
    %get3A_1111 = arith.constant 80 : index
    %get3A_1112 = tpu.vector_load %arg13[%get3A_1111] {strides = array<i32>} : memref<128xf32, #tpu.memory_space<vmem>>, vector<16xf32>,
    %get3A_1113 = vector.shape_cast %get3A_1112 : vector<16xf32> to vector<16xf32>
    %mul3A_1114 = arith.constant 512 : i32
    %mul3A_1115 = arith.muli %select_n3A_30, %mul3A_1114 : i32
    %add3A_1116 = arith.constant 464 : i32
    %add3A_1117 = arith.addi %mul3A_1115, %add3A_1116 : i32
    %add3A_1118 = vector.broadcast %add3A_1117 : i32 to vector<16xi32>
    %add3A_1119 = arith.addi %add3A_1118, %iota3A : vector<16xi32>
    %lt3A_1120 = arith.cmpi slt, %add3A_1119, %add3A_82 : vector<16xi32>
    %jit3A_1121 = arith.constant 0.000000e+00 : f32
    %broadcast_in_dim3A_1122 = vector.broadcast %jit3A_1121 : f32 to vector<16xf32>
    %select_n3A_1123 = arith.select %lt3A_1120, %get3A_1113, %broadcast_in_dim3A_1122 : vector<16xi1>, vector<16xf32>
    %add3A_1124 = arith.addf %add3A_1110, %select_n3A_1123 : vector<16xf32>
    %get3A_1125 = arith.constant 96 : index
    %get3A_1126 = tpu.vector_load %arg13[%get3A_1125] {strides = array<i32>} : memref<128xf32, #tpu.memory_space<vmem>>, vector<16xf32>,
    %get3A_1127 = vector.shape_cast %get3A_1126 : vector<16xf32> to vector<16xf32>
    %mul3A_1128 = arith.constant 512 : i32
    %mul3A_1129 = arith.muli %select_n3A_30, %mul3A_1128 : i32
    %add3A_1130 = arith.constant 480 : i32
    %add3A_1131 = arith.addi %mul3A_1129, %add3A_1130 : i32
    %add3A_1132 = vector.broadcast %add3A_1131 : i32 to vector<16xi32>
    %add3A_1133 = arith.addi %add3A_1132, %iota3A : vector<16xi32>
    %lt3A_1134 = arith.cmpi slt, %add3A_1133, %add3A_82 : vector<16xi32>
    %jit3A_1135 = arith.constant 0.000000e+00 : f32
    %broadcast_in_dim3A_1136 = vector.broadcast %jit3A_1135 : f32 to vector<16xf32>
    %select_n3A_1137 = arith.select %lt3A_1134, %get3A_1127, %broadcast_in_dim3A_1136 : vector<16xi1>, vector<16xf32>
    %add3A_1138 = arith.addf %add3A_1124, %select_n3A_1137 : vector<16xf32>
    %get3A_1139 = arith.constant 112 : index
    %get3A_1140 = tpu.vector_load %arg13[%get3A_1139] {strides = array<i32>} : memref<128xf32, #tpu.memory_space<vmem>>, vector<16xf32>,
    %get3A_1141 = vector.shape_cast %get3A_1140 : vector<16xf32> to vector<16xf32>
    %mul3A_1142 = arith.constant 512 : i32
    %mul3A_1143 = arith.muli %select_n3A_30, %mul3A_1142 : i32
    %add3A_1144 = arith.constant 496 : i32
    %add3A_1145 = arith.addi %mul3A_1143, %add3A_1144 : i32
    %add3A_1146 = vector.broadcast %add3A_1145 : i32 to vector<16xi32>
    %add3A_1147 = arith.addi %add3A_1146, %iota3A : vector<16xi32>
    %lt3A_1148 = arith.cmpi slt, %add3A_1147, %add3A_82 : vector<16xi32>
    %jit3A_1149 = arith.constant 0.000000e+00 : f32
    %broadcast_in_dim3A_1150 = vector.broadcast %jit3A_1149 : f32 to vector<16xf32>
    %select_n3A_1151 = arith.select %lt3A_1148, %get3A_1141, %broadcast_in_dim3A_1150 : vector<16xi1>, vector<16xf32>
    %add3A_1152 = arith.addf %add3A_1138, %select_n3A_1151 : vector<16xf32>
    %swap3A_1153 = arith.constant 0 : index
    %swap3A_1154 = tpu.vector_load %arg14[%swap3A_1153] {strides = array<i32>} : memref<16xf32, #tpu.memory_space<vmem>>, vector<16xf32>,
    %swap3A_1155 = vector.shape_cast %swap3A_1154 : vector<16xf32> to vector<16xf32>
    %swap3A_1156 = vector.shape_cast %add3A_1152 : vector<16xf32> to vector<16xf32>
    tpu.vector_store %arg14[%swap3A_1153], %swap3A_1156 {strides = array<i32>} : memref<16xf32, #tpu.memory_space<vmem>>, vector<16xf32>,
    "tpu.region"() ({
      %run_scoped3A = tpu.sem_alloc : memref<!tpu.dma_semaphore, #tpu.memory_space<semaphore_mem>>
      %dma_start3A_1157 = arith.constant 0 : i32
      %dma_start3A_1158 = tpu.memref_slice %arg4[%add3A, %dma_start3A_1157] : memref<32x16xf32, #tpu.memory_space<hbm>> -> memref<1x16xf32, #tpu.memory_space<hbm>>
      %dma_start3A_1159 = tpu.memref_squeeze %dma_start3A_1158 : memref<1x16xf32, #tpu.memory_space<hbm>> -> memref<16xf32, #tpu.memory_space<hbm>>
      %dma_start3A_1160 = arith.constant 0 : i32
      %dma_start3A_1161 = tpu.memref_slice %arg4[%add3A, %dma_start3A_1160] : memref<32x16xf32, #tpu.memory_space<hbm>> -> memref<1x16xf32, #tpu.memory_space<hbm>>
      %dma_start3A_1162 = tpu.memref_squeeze %dma_start3A_1161 : memref<1x16xf32, #tpu.memory_space<hbm>> -> memref<16xf32, #tpu.memory_space<hbm>>
      tpu.enqueue_dma source(%arg14 : memref<16xf32, #tpu.memory_space<vmem>>) target(%dma_start3A_1162 : memref<16xf32, #tpu.memory_space<hbm>>) target_semaphore(%run_scoped3A : memref<!tpu.dma_semaphore, #tpu.memory_space<semaphore_mem>>)
      %dma_wait3A_1163 = arith.constant 0 : i32
      %dma_wait3A_1164 = tpu.memref_slice %arg4[%add3A, %dma_wait3A_1163] : memref<32x16xf32, #tpu.memory_space<hbm>> -> memref<1x16xf32, #tpu.memory_space<hbm>>
      %dma_wait3A_1165 = tpu.memref_squeeze %dma_wait3A_1164 : memref<1x16xf32, #tpu.memory_space<hbm>> -> memref<16xf32, #tpu.memory_space<hbm>>
      %dma_wait3A_1166 = arith.constant 0 : i32
      %dma_wait3A_1167 = tpu.memref_slice %arg4[%add3A, %dma_wait3A_1166] : memref<32x16xf32, #tpu.memory_space<hbm>> -> memref<1x16xf32, #tpu.memory_space<hbm>>
      %dma_wait3A_1168 = tpu.memref_squeeze %dma_wait3A_1167 : memref<1x16xf32, #tpu.memory_space<hbm>> -> memref<16xf32, #tpu.memory_space<hbm>>
      tpu.wait_dma2 semaphore(%run_scoped3A : memref<!tpu.dma_semaphore, #tpu.memory_space<semaphore_mem>>) src(%arg14 : memref<16xf32, #tpu.memory_space<vmem>>) dst(%dma_wait3A_1168 : memref<16xf32, #tpu.memory_space<hbm>>)
      tpu.yield
    }) : () -> ()
    return
  }
}

module attributes {stable_mosaic.version = 14 : i64} {
  func.func @_ce_kernel(%arg0: i32, %arg1: i32, %arg2: memref<1x1x2048xi32, #tpu.memory_space<vmem>>, %arg3: memref<1x512x4096xf32, #tpu.memory_space<vmem>>, %arg4: memref<1x1x128xf32, #tpu.memory_space<vmem>>, %arg5: memref<1xi32, #tpu.memory_space<smem>>) attributes {dimension_semantics = [#tpu.dimension_semantics<arbitrary>, #tpu.dimension_semantics<arbitrary>], iteration_bounds = array<i64: 8, 4>, scalar_prefetch = 0 : i64, scratch_operands = 1 : i64, tpu.core_type = #tpu.core_type<tc>, window_params = [{transform_indices = @transform_0, window_bounds = array<i64: 1, 1, 2048>}, {transform_indices = @transform_1, window_bounds = array<i64: 1, 512, 4096>}, {transform_indices = @transform_2, window_bounds = array<i64: 1, 1, 128>}]} {
    %eq3A = arith.constant 0 : i32
    %eq3A_0 = arith.cmpi eq, %arg1, %eq3A : i32
    %convert_element_type3A = arith.extui %eq3A_0 : i1 to i32
    %cond3A = arith.constant 0 : i32
    %cond3A_1 = arith.cmpi ne, %convert_element_type3A, %cond3A : i32
    scf.if %cond3A_1 {
      %get3A_87 = arith.constant 0 : index
      %get3A_88 = arith.constant 0 : index
      %get3A_89 = arith.constant 0 : index
      %get3A_90 = vector.load %arg2[%get3A_87, %get3A_88, %get3A_89] : memref<1x1x2048xi32, #tpu.memory_space<vmem>>, vector<1x1x2048xi32>
      %get3A_91 = vector.shape_cast %get3A_90 : vector<1x1x2048xi32> to vector<2048xi32>
      %ne3A = arith.constant 0 : i32
      %ne3A_92 = vector.broadcast %ne3A : i32 to vector<2048xi32>
      %ne3A_93 = arith.cmpi ne, %get3A_91, %ne3A_92 : vector<2048xi32>
      %convert_element_type3A_94 = arith.extui %ne3A_93 : vector<2048xi1> to vector<2048xi32>
      %reduce_sum3A_95 = vector.shape_cast %convert_element_type3A_94 : vector<2048xi32> to vector<1x2048xi32>
      %reduce_sum3A_96 = arith.constant dense<0> : vector<1xi32>
      %reduce_sum3A_97 = vector.multi_reduction <add>, %reduce_sum3A_95, %reduce_sum3A_96 [1] : vector<1x2048xi32> to vector<1xi32>
      %reduce_sum3A_98 = vector.shape_cast %reduce_sum3A_97 : vector<1xi32> to vector<1x1xi32>
      %reduce_sum3A_99 = vector.extract %reduce_sum3A_98[0, 0] : i32 from vector<1x1xi32>
      %swap3A_100 = arith.constant 0 : index
      %swap3A_101 = memref.load %arg5[%swap3A_100] : memref<1xi32, #tpu.memory_space<smem>>
      memref.store %reduce_sum3A_99, %arg5[%swap3A_100] : memref<1xi32, #tpu.memory_space<smem>>
    } else {
    }
    %get3A = arith.constant 0 : index
    %get3A_2 = memref.load %arg5[%get3A] : memref<1xi32, #tpu.memory_space<smem>>
    %get3A_3 = arith.constant 0 : index
    %get3A_4 = arith.constant 0 : index
    %get3A_5 = arith.constant 0 : index
    %get3A_6 = vector.load %arg3[%get3A_3, %get3A_4, %get3A_5] : memref<1x512x4096xf32, #tpu.memory_space<vmem>>, vector<1x512x4096xf32>
    %get3A_7 = vector.shape_cast %get3A_6 : vector<1x512x4096xf32> to vector<512x4096xf32>
    %mul3A = arith.constant 512 : i32
    %mul3A_8 = arith.muli %arg1, %mul3A : i32
    %get3A_9 = arith.constant 0 : index
    %get3A_10 = arith.constant 0 : index
    %get3A_11 = arith.index_cast %mul3A_8 : i32 to index
    %get3A_12 = vector.load %arg2[%get3A_9, %get3A_10, %get3A_11] : memref<1x1x2048xi32, #tpu.memory_space<vmem>>, vector<1x1x512xi32>
    %get3A_13 = vector.shape_cast %get3A_12 : vector<1x1x512xi32> to vector<512xi32>
    %reduce_max3A = arith.constant dense<0xFF800000> : vector<512xf32>
    %reduce_max3A_14 = vector.multi_reduction <maximumf>, %get3A_7, %reduce_max3A [1] : vector<512x4096xf32> to vector<512xf32>
    %broadcast_in_dim3A = vector.shape_cast %reduce_max3A_14 : vector<512xf32> to vector<512x1xf32>
    %exp3A = math.exp %get3A_7 : vector<512x4096xf32>
    %reduce_sum3A = arith.constant dense<0.000000e+00> : vector<512xf32>
    %reduce_sum3A_15 = vector.multi_reduction <add>, %exp3A, %reduce_sum3A [1] : vector<512x4096xf32> to vector<512xf32>
    %broadcast_in_dim3A_16 = vector.shape_cast %reduce_sum3A_15 : vector<512xf32> to vector<512x1xf32>
    %log3A = math.log %broadcast_in_dim3A_16 : vector<512x1xf32>
    %iota3A = tpu.iota {dimensions = array<i32: 1>} : vector<512x4096xi32>
    %convert_element_type3A_17 = arith.sitofp %iota3A : vector<512x4096xi32> to vector<512x4096xf32>
    %broadcast_in_dim3A_18 = vector.shape_cast %get3A_13 : vector<512xi32> to vector<512x1xi32>
    %convert_element_type3A_19 = arith.sitofp %broadcast_in_dim3A_18 : vector<512x1xi32> to vector<512x1xf32>
    %eq3A_20 = vector.broadcast %broadcast_in_dim3A : vector<512x1xf32> to vector<512x4096xf32>
    %eq3A_21 = arith.cmpf oeq, %get3A_7, %eq3A_20 : vector<512x4096xf32>
    %jit3A = arith.constant 4.096000e+03 : f32
    %broadcast_in_dim3A_22 = vector.broadcast %jit3A : f32 to vector<512x4096xf32>
    %select_n3A = arith.select %eq3A_21, %convert_element_type3A_17, %broadcast_in_dim3A_22 : vector<512x4096xi1>, vector<512x4096xf32>
    %reduce_min3A = arith.constant dense<0x7F800000> : vector<512xf32>
    %reduce_min3A_23 = vector.multi_reduction <minimumf>, %select_n3A, %reduce_min3A [1] : vector<512x4096xf32> to vector<512xf32>
    %broadcast_in_dim3A_24 = vector.shape_cast %reduce_min3A_23 : vector<512xf32> to vector<512x1xf32>
    %iota3A_25 = tpu.iota {dimensions = array<i32: 0>} : vector<512x1xi32>
    %mul3A_26 = arith.constant 512 : i32
    %mul3A_27 = arith.muli %arg1, %mul3A_26 : i32
    %add3A = vector.broadcast %mul3A_27 : i32 to vector<512x1xi32>
    %add3A_28 = arith.addi %iota3A_25, %add3A : vector<512x1xi32>
    %lt3A = vector.broadcast %get3A_2 : i32 to vector<512x1xi32>
    %lt3A_29 = arith.cmpi slt, %add3A_28, %lt3A : vector<512x1xi32>
    %convert_element_type3A_30 = arith.extui %lt3A_29 : vector<512x1xi1> to vector<512x1xi32>
    %convert_element_type3A_31 = arith.sitofp %convert_element_type3A_30 : vector<512x1xi32> to vector<512x1xf32>
    %mul3A_32 = arith.mulf %log3A, %convert_element_type3A_31 : vector<512x1xf32>
    %reduce_sum3A_33 = vector.shape_cast %mul3A_32 : vector<512x1xf32> to vector<1x512x1xf32>
    %reduce_sum3A_34 = arith.constant dense<0.000000e+00> : vector<1xf32>
    %reduce_sum3A_35 = vector.multi_reduction <add>, %reduce_sum3A_33, %reduce_sum3A_34 [1, 2] : vector<1x512x1xf32> to vector<1xf32>
    %reduce_sum3A_36 = vector.shape_cast %reduce_sum3A_35 : vector<1xf32> to vector<1x1x1xf32>
    %reduce_sum3A_37 = vector.extract %reduce_sum3A_36[0, 0, 0] : f32 from vector<1x1x1xf32>
    %eq3A_38 = arith.cmpf oeq, %broadcast_in_dim3A_24, %convert_element_type3A_19 : vector<512x1xf32>
    %convert_element_type3A_39 = arith.extui %eq3A_38 : vector<512x1xi1> to vector<512x1xi32>
    %convert_element_type3A_40 = arith.sitofp %convert_element_type3A_39 : vector<512x1xi32> to vector<512x1xf32>
    %mul3A_41 = arith.mulf %convert_element_type3A_40, %convert_element_type3A_31 : vector<512x1xf32>
    %reduce_sum3A_42 = vector.shape_cast %mul3A_41 : vector<512x1xf32> to vector<1x512x1xf32>
    %reduce_sum3A_43 = arith.constant dense<0.000000e+00> : vector<1xf32>
    %reduce_sum3A_44 = vector.multi_reduction <add>, %reduce_sum3A_42, %reduce_sum3A_43 [1, 2] : vector<1x512x1xf32> to vector<1xf32>
    %reduce_sum3A_45 = vector.shape_cast %reduce_sum3A_44 : vector<1xf32> to vector<1x1x1xf32>
    %reduce_sum3A_46 = vector.extract %reduce_sum3A_45[0, 0, 0] : f32 from vector<1x1x1xf32>
    %reduce_sum3A_47 = vector.shape_cast %convert_element_type3A_31 : vector<512x1xf32> to vector<1x512x1xf32>
    %reduce_sum3A_48 = arith.constant dense<0.000000e+00> : vector<1xf32>
    %reduce_sum3A_49 = vector.multi_reduction <add>, %reduce_sum3A_47, %reduce_sum3A_48 [1, 2] : vector<1x512x1xf32> to vector<1xf32>
    %reduce_sum3A_50 = vector.shape_cast %reduce_sum3A_49 : vector<1xf32> to vector<1x1x1xf32>
    %reduce_sum3A_51 = vector.extract %reduce_sum3A_50[0, 0, 0] : f32 from vector<1x1x1xf32>
    %iota3A_52 = tpu.iota {dimensions = array<i32: 1>} : vector<1x128xi32>
    %iota3A_53 = vector.shape_cast %iota3A_52 : vector<1x128xi32> to vector<128xi32>
    %eq3A_54 = arith.constant 0 : i32
    %eq3A_55 = vector.broadcast %eq3A_54 : i32 to vector<128xi32>
    %eq3A_56 = arith.cmpi eq, %iota3A_53, %eq3A_55 : vector<128xi32>
    %eq3A_57 = arith.constant 1 : i32
    %eq3A_58 = vector.broadcast %eq3A_57 : i32 to vector<128xi32>
    %eq3A_59 = arith.cmpi eq, %iota3A_53, %eq3A_58 : vector<128xi32>
    %eq3A_60 = arith.constant 2 : i32
    %eq3A_61 = vector.broadcast %eq3A_60 : i32 to vector<128xi32>
    %eq3A_62 = arith.cmpi eq, %iota3A_53, %eq3A_61 : vector<128xi32>
    %jit3A_63 = arith.constant 0.000000e+00 : f32
    %broadcast_in_dim3A_64 = vector.broadcast %reduce_sum3A_51 : f32 to vector<128xf32>
    %broadcast_in_dim3A_65 = vector.broadcast %jit3A_63 : f32 to vector<128xf32>
    %select_n3A_66 = arith.select %eq3A_62, %broadcast_in_dim3A_64, %broadcast_in_dim3A_65 : vector<128xi1>, vector<128xf32>
    %broadcast_in_dim3A_67 = vector.broadcast %reduce_sum3A_46 : f32 to vector<128xf32>
    %select_n3A_68 = arith.select %eq3A_59, %broadcast_in_dim3A_67, %select_n3A_66 : vector<128xi1>, vector<128xf32>
    %broadcast_in_dim3A_69 = vector.broadcast %reduce_sum3A_37 : f32 to vector<128xf32>
    %select_n3A_70 = arith.select %eq3A_56, %broadcast_in_dim3A_69, %select_n3A_68 : vector<128xi1>, vector<128xf32>
    %eq3A_71 = arith.constant 0 : i32
    %eq3A_72 = arith.cmpi eq, %arg1, %eq3A_71 : i32
    %convert_element_type3A_73 = arith.extui %eq3A_72 : i1 to i32
    %cond3A_74 = arith.constant 0 : i32
    %cond3A_75 = arith.cmpi ne, %convert_element_type3A_73, %cond3A_74 : i32
    scf.if %cond3A_75 {
      %broadcast_in_dim3A_87 = arith.constant 0.000000e+00 : f32
      %broadcast_in_dim3A_88 = vector.broadcast %broadcast_in_dim3A_87 : f32 to vector<128xf32>
      %swap3A_89 = arith.constant 0 : index
      %swap3A_90 = arith.constant 0 : index
      %swap3A_91 = arith.constant 0 : index
      %swap3A_92 = vector.load %arg4[%swap3A_89, %swap3A_90, %swap3A_91] : memref<1x1x128xf32, #tpu.memory_space<vmem>>, vector<1x1x128xf32>
      %swap3A_93 = vector.shape_cast %swap3A_92 : vector<1x1x128xf32> to vector<128xf32>
      %swap3A_94 = vector.shape_cast %broadcast_in_dim3A_88 : vector<128xf32> to vector<1x1x128xf32>
      tpu.vector_store %arg4[%swap3A_89, %swap3A_90, %swap3A_91], %swap3A_94 {strides = array<i32>} : memref<1x1x128xf32, #tpu.memory_space<vmem>>, vector<1x1x128xf32>,
    } else {
    }
    %get3A_76 = arith.constant 0 : index
    %get3A_77 = arith.constant 0 : index
    %get3A_78 = arith.constant 0 : index
    %get3A_79 = vector.load %arg4[%get3A_76, %get3A_77, %get3A_78] : memref<1x1x128xf32, #tpu.memory_space<vmem>>, vector<1x1x128xf32>
    %get3A_80 = vector.shape_cast %get3A_79 : vector<1x1x128xf32> to vector<128xf32>
    %add3A_81 = arith.addf %get3A_80, %select_n3A_70 : vector<128xf32>
    %swap3A = arith.constant 0 : index
    %swap3A_82 = arith.constant 0 : index
    %swap3A_83 = arith.constant 0 : index
    %swap3A_84 = vector.load %arg4[%swap3A, %swap3A_82, %swap3A_83] : memref<1x1x128xf32, #tpu.memory_space<vmem>>, vector<1x1x128xf32>
    %swap3A_85 = vector.shape_cast %swap3A_84 : vector<1x1x128xf32> to vector<128xf32>
    %swap3A_86 = vector.shape_cast %add3A_81 : vector<128xf32> to vector<1x1x128xf32>
    tpu.vector_store %arg4[%swap3A, %swap3A_82, %swap3A_83], %swap3A_86 {strides = array<i32>} : memref<1x1x128xf32, #tpu.memory_space<vmem>>, vector<1x1x128xf32>,
    return
  }
  func.func @transform_0(%arg0: i32, %arg1: i32) -> (i32, i32, i32) {
    %c0_i32 = arith.constant 0 : i32
    %c0_i32_0 = arith.constant 0 : i32
    %c0_i32_1 = arith.constant 0 : i32
    return %arg0, %c0_i32, %c0_i32_0 : i32, i32, i32
  }
  func.func @transform_1(%arg0: i32, %arg1: i32) -> (i32, i32, i32) {
    %c0_i32 = arith.constant 0 : i32
    %c0_i32_0 = arith.constant 0 : i32
    return %arg0, %arg1, %c0_i32 : i32, i32, i32
  }
  func.func @transform_2(%arg0: i32, %arg1: i32) -> (i32, i32, i32) {
    %c0_i32 = arith.constant 0 : i32
    %c0_i32_0 = arith.constant 0 : i32
    %c0_i32_1 = arith.constant 0 : i32
    return %arg0, %c0_i32, %c0_i32_0 : i32, i32, i32
  }
}

</mosaic_0001>

<sc_bundles>
// kernel: kernel.4.cloned.1.call-start
scs
__scs_entry_jumppad:
0x0: {  	(pc) =	sbr.rel $0x88, $3  }
0x1: {  	(tag) =	ssettag $0x0;
	lr =	simm.s32 $0x1  }
0x2: {  	[smem:$0x3F9F] =	sst lr;
	_ =	strace $0xD0000000  }
0x3: {  	_ = 	snop  }
0x4: {  	_ = 	snop  }
0x5: {  	_ = 	snop  }
0x6: {  	_ = 	snop  }
0x7: {  	_ = 	snop  }
__scs_overlays_trampoline_lowered:
0x8: {  	[smem:$0x3FAE] =	sst s0  }
0x9: {  	[smem:$0x3FAF] =	sst s1  }
0xa: {  	[smem:$0x3FB0] =	sst s2  }
0xb: {  	[smem:$0x3FB1] =	sst s3  }
0xc: {  	[smem:$0x3FB2] =	sst s4  }
0xd: {  	[smem:$0x3FB3] =	sst s5  }
0xe: {  	[smem:$0x3FB4] =	sst s6  }
0xf: {  	[smem:$0x3FB5] =	sst s7  }
0x10: {  	[smem:$0x3FB6] =	sst s8  }
0x11: {  	[smem:$0x3FB7] =	sst s9;
	s0 =	simm.s32 @!p0 $0x0  }
0x12: {  	s1 =	sld [smem:$0x3F9D];
	s0 =	simm.s32 @p0 $0x1  }
0x13: {  	[smem:$0x3FB8] =	sst s0;
	s0 =	simm.s32 @!p1 $0x0  }
0x14: {  	s2 =	sld [smem:$0x3F9C];
	s0 =	simm.s32 @p1 $0x1  }
0x15: {  	[smem:$0x3FB9] =	sst s0;
	s0 =	simm.s32 @!p2 $0x0  }
0x16: {  	s3 =	sld [smem:$0x3FDB];
	s0 =	simm.s32 @p2 $0x1  }
0x17: {  	s4 =	simm.s32 $0x1BF5;
	[smem:$0x3FBB] =	sst s0  }
0x18: {  	s0 =	sld [smem:$0x3F9E];
	_ =	swait.ge [sflag:s4], $0x0  }
0x19: {  	s7 =	sld [smem:$0x3F9F]  }
0x1a: {  	s8 =	sadd.s32 $0xFFFFE003, lr  }
0x1b: {  	s9 =	sadd.s32 $0xFFFFFEF7, lr;
	s5 =	simm.s32 $0xFFFFFFFF;
	p2 =	slt.u32 s8, $0xFFFFF086  }
0x1c: {  	p1 =	slt.u32 s9, $0xF7A;
	s5 =	simm.s32 @!p2 $0x0  }
0x1d: {  	s5 =	simm.s32 @p1 $0x1;
	p0 =	seq.s32 s7, s2  }
0x1e: {  	s7 =	smul.u32 @!p0 $0xF7A, s2;
	p2 =	seq.s32 @!p0 s5, $0x0  }
0x1f: {  	s9 =	smul.u32 $0xF7A, s1;
	s8 =	simm.s32 @!p0 $0x1BF5;
	p2 =	por !p2, p0  }
0x20: {  	[sflag:s8] =	ssyncset.s32 @!p0 $0xFFFFF086;
	s6 =	sadd.s32 @!p0 s3, s7;
	s7 =	simm.s32 @!p0 $0x108  }
0x21: {  	s3 =	sadd.s32 s3, s9;
	s6 =	sadd.s32 @!p0 $0x88, s6;
	s7 =	simm.s32 @p2 $0x1082  }
0x22: {  	[simem:s7], [sflag:s8] =	dma.local @!p0 [hbm:s6], $0xF7A  }
0x23: {  	s9 =	sor.u32 $0xD0000000, s2;
	s6 =	simm.s32 $0x108;
	_ =	swait.ge @!p0 [sflag:s8], $0x0  }
0x24: {  	s3 =	sadd.s32 $0x88, s3;
	s6 =	simm.s32 @!p1 $0x1082;
	[sflag:s4] =	ssyncset.s32 $0xFFFFF086  }
0x25: {  	[simem:s6], [sflag:s4] =	dma.local [hbm:s3], $0xF7A  }
0x26: {  	[smem:$0x3F9F] =	sst s1;
	(tag) =	ssettag s2;
	_ =	strace s9  }
0x27: {  	s1 =	sld [smem:$0x3FAF]  }
0x28: {  	s2 =	sld [smem:$0x3FB0]  }
0x29: {  	s4 =	sld [smem:$0x3FB2]  }
0x2a: {  	p0 =	seq.s32 s5, $0x0;
	s5 =	sld [smem:$0x3FB3]  }
0x2b: {  	s6 =	sld [smem:$0x3FB4]  }
0x2c: {  	s7 =	sld [smem:$0x3FB5]  }
0x2d: {  	s3 =	simm.s32 $0x108;
	s8 =	sld [smem:$0x3FB6]  }
0x2e: {  	s3 =	simm.s32 @!p0 $0x1082;
	s9 =	sld [smem:$0x3FB7]  }
0x2f: {  	lr =	sadd.s32 s0, s3;
	s0 =	sld [smem:$0x3FAE]  }
0x30: {  	s3 =	sld [smem:$0x3FB1]  }
0x31: {  	[smem:$0x3FBA] =	sst s10  }
0x32: {  	s10 =	sld [smem:$0x3FB8];
	_ =	sdelay $0x3  }
0x33: {  	p0 =	seq.s32 s10, $0x1;
	s10 =	sld [smem:$0x3FBA];
	_ =	sdelay $0x3  }
0x34: {  	[smem:$0x3FBA] =	sst s10  }
0x35: {  	s10 =	sld [smem:$0x3FB9];
	_ =	sdelay $0x3  }
0x36: {  	p1 =	seq.s32 s10, $0x1;
	s10 =	sld [smem:$0x3FBA];
	_ =	sdelay $0x3  }
0x37: {  	[smem:$0x3FBA] =	sst s10  }
0x38: {  	s10 =	sld [smem:$0x3FBB]  }
0x39: {  	_ = 	snop;
	(pc) =	sbr.ind lr, $3  }
0x3a: {  	_ = 	snop  }
0x3b: {  	_ = 	snop  }
0x3c: {  	p2 =	seq.s32 s10, $0x1;
	s10 =	sld [smem:$0x3FBA]  }
0x3d: {  	_ =	shalt  }
0x3e: {  	_ =	shalt  }
0x3f: {  	_ =	shalt  }
0x40: {  	_ =	shalt  }
0x41: {  	_ =	shalt  }
0x42: {  	_ =	shalt  }
0x43: {  	_ =	shalt  }
0x44: {  	_ =	shalt  }
0x45: {  	_ =	shalt  }
0x46: {  	_ =	shalt  }
0x47: {  	_ =	shalt  }
0x48: {  	_ =	shalt  }
0x49: {  	_ =	shalt  }
0x4a: {  	_ =	shalt  }
0x4b: {  	_ =	shalt  }
0x4c: {  	_ =	shalt  }
0x4d: {  	_ =	shalt  }
0x4e: {  	_ =	shalt  }
0x4f: {  	_ =	shalt  }
0x50: {  	_ =	shalt  }
0x51: {  	_ =	shalt  }
0x52: {  	_ =	shalt  }
0x53: {  	_ =	shalt  }
0x54: {  	_ =	shalt  }
0x55: {  	_ =	shalt  }
0x56: {  	_ =	shalt  }
0x57: {  	_ =	shalt  }
0x58: {  	_ =	shalt  }
0x59: {  	_ =	shalt  }
0x5a: {  	_ =	shalt  }
0x5b: {  	_ =	shalt  }
0x5c: {  	_ =	shalt  }
0x5d: {  	_ =	shalt  }
0x5e: {  	_ =	shalt  }
0x5f: {  	_ =	shalt  }
0x60: {  	_ =	shalt  }
0x61: {  	_ =	shalt  }
0x62: {  	_ =	shalt  }
0x63: {  	_ =	shalt  }
0x64: {  	_ =	shalt  }
0x65: {  	_ =	shalt  }
0x66: {  	_ =	shalt  }
0x67: {  	_ =	shalt  }
0x68: {  	_ =	shalt  }
0x69: {  	_ =	shalt  }
0x6a: {  	_ =	shalt  }
0x6b: {  	_ =	shalt  }
0x6c: {  	_ =	shalt  }
0x6d: {  	_ =	shalt  }
0x6e: {  	_ =	shalt  }
0x6f: {  	_ =	shalt  }
0x70: {  	_ =	shalt  }
0x71: {  	_ =	shalt  }
0x72: {  	_ =	shalt  }
0x73: {  	_ =	shalt  }
0x74: {  	_ =	shalt  }
0x75: {  	_ =	shalt  }
0x76: {  	_ =	shalt  }
0x77: {  	_ =	shalt  }
0x78: {  	_ =	shalt  }
0x79: {  	_ =	shalt  }
0x7a: {  	_ =	shalt  }
0x7b: {  	_ =	shalt  }
0x7c: {  	_ =	shalt  }
0x7d: {  	_ =	shalt  }
0x7e: {  	_ =	shalt  }
0x7f: {  	_ =	shalt  }
0x80: {  	_ =	shalt  }
0x81: {  	_ =	shalt  }
0x82: {  	_ =	shalt  }
0x83: {  	_ =	shalt  }
0x84: {  	_ =	shalt  }
0x85: {  	_ =	shalt  }
0x86: {  	_ =	shalt  }
0x87: {  	_ =	shalt  }
.Lfunc_end0:
.L_simem_size_0:
called_computation.1_lowered:
.L_overlay_start_0:
0x88: {  	s2 =	sld [smem:$0x3FD9]  }
0x89: {  	s3 =	sld [smem:$0x3FFE];
	_ =	sdelay $0x1  }
0x8a: {  	s1 =	srdreg.scid  }
0x8b: {  	s0 =	sand.u32 $0x1, s1  }
0x8c: {  	s16 =	sshll.u32 s0, $0xA;
	s2 =	sadd.s32 s3, s2  }
0x8d: {  	s2 =	sadd.s32 s2, s16  }
0x8e: {  	[smem:$0x3FC6] =	sst s2  }
0x8f: {  	_ = 	snop  }
0x90: {  	(tm) =	ssettm $0x1  }
0x91: {  	s17 =	sld [smem:$0x3FFB];
	_ =	sdelay $0x3  }
0x92: {  	_ =	strace s17  }
0x93: {  	s2 =	sld [smem:$0x3FFC];
	_ =	sdelay $0x3  }
0x94: {  	_ =	strace s2  }
0x95: {  	s2 =	sld [smem:$0x3FFD];
	_ =	sdelay $0x3  }
0x96: {  	_ =	strace s2  }
0x97: {  	_ =	strace $0x8FFFFFFF  }
0x98: {  	s18 =	sld [smem:$0x3FDB];
	_ =	sdelay $0x1  }
0x99: {  	s19 =	simm.s32 $_scs_section_size  }
0x9a: {  	s4 =	simm.s32 $_size__tile_overlayer_lowered;
	s5 =	simm.s32 $_tile_overlayer_lowered  }
0x9b: {  	s22 =	simm.s32 $0x1BFF;
	s21 =	sshll.u32 s5, $0x1;
	s2 =	sadd.s32 s19, s18  }
0x9c: {  	s6 =	simm.s32 $0x0;
	s20 =	sshll.u32 s4, $0x1;
	s4 =	sadd.s32 s21, s2  }
0x9d: {  	[timem:s6], [sflag:s22] =	dma.local [hbm:s4], s20  }
0x9e: {  	_ =	swait.ge [sflag:s22], s20  }
0x9f: {  	s3 =	ssub.s32 $0x0, s20;
	[sflag:s22] =	ssyncset.done $0x0  }
0xa0: {  	[sflag:s22] =	ssyncadd.s32 s3;
	_ =	sdelay $0x1  }
0xa1: {  	s23 =	simm.s32 $0x1B8B  }
0xa2: {  	_ =	swait.ge [sflag:s23], $0x1  }
0xa3: {  	[sflag:s23] =	ssyncset.done $0x0  }
0xa4: {  	s25 =	simm.s32 $0x1B8E;
	s24 =	sld [smem:$0x3FFE];
	[sflag:s23] =	ssyncadd.s32 $0xFFFFFFFF  }
0xa5: {  	s26 =	simm.s32 $execute0_lowered;
	[smem:$0x3FD2] =	sst s25  }
0xa6: {  	s4 =	sshll.u32 s26, $0x1;
	_ =	strace $0x80000049;
	[dreg:$0x1] =	wrdreg $0xFFFFFFFF  }
0xa7: {  	s28 =	simm.s32 $_size_execute0_lowered;
	s2 =	sadd.s32 s2, s4;
	[dreg:$0x0] =	wrdreg $0x0  }
0xa8: {  	s4 =	sshll.u32 s28, $0x1;
	[dreg:$0x2] =	wrdreg s2  }
0xa9: {  	[dreg:$0x3] =	wrdreg s4  }
0xaa: {  	[dreg:$0x4] =	wrdreg $0xC0  }
0xab: {  	_ =	task [dreg:s6], $0x5FFFF  }
0xac: {  	[dreg:$0x1] =	wrdreg $0xFFFFFFFF  }
0xad: {  	[dreg:$0x0] =	wrdreg $0x60  }
0xae: {  	[dreg:$0x2] =	wrdreg s24  }
0xaf: {  	[dreg:$0x3] =	wrdreg $0x9  }
0xb0: {  	_ =	task.clear_ibuf [dreg:s6], $0x4FFFF;
	_ =	strace $0x90000049  }
0xb1: {  	s29 =	simm.s32 $0x9;
	_ =	strace $0x8000004B  }
0xb2: {  	_ =	swait.ge [sflag:s29], $0x1  }
0xb3: {  	[sflag:s29] =	ssyncadd.s32 $0xFFFFFFFF  }
0xb4: {  	_ =	strace $0x9000004B  }
0xb5: {  	_ =	sfence  }
0xb6: {  	s30 =	sld [smem:$0x0];
	_ =	sdelay $0x2  }
0xb7: {  	s31 =	sshll.u32 s1, $0xD;
	s1 =	sshrl.u32 s1, $0x2  }
0xb8: {  	s3 =	sand.u32 $0x4000, s31;
	s1 =	sadd.s32 s1, s30  }
0xb9: {  	s0 =	sor.u32 s3, s0;
	s1 =	sshll.u32 s1, $0x11  }
0xba: {  	s0 =	sor.u32 s1, s0  }
0xbb: {  	s0 =	sadd.s32 $0x8F2B, s0  }
0xbc: {  	[sflag:s0] =	ssyncadd.remote.s32 $0x1  }
0xbd: {  	_ =	sfence.sel $0xFFFF  }
0xbe: {  	[dreg:$0x0] =	wrdreg $0xFFFFFFFF;
	(pc) =	sbr.abs _section_cstart, $3  }
0xbf: {  	[dreg:$0x1] =	wrdreg $0xFFFFFFFF  }
0xc0: {  	_ =	task.clear_ibuf [dreg:s6], $0x2FFFF;
	_ =	strace $0x9FFFFFFF  }
0xc1: {  	(tm) =	ssettm $0x7FFFFFFF  }
tec
execute0_lowered:
.L_overlay_start_1:
0x0: {  	(tag) =	ssettag $0x1  }
0x1: {  	s0 =	stileid.u32;
	s1 =	srdreg.scid  }
0x2: {  	s7 =	sand.u32 $0x1, s1;
	s25 =	sshll.u32 s0, $0x1  }
0x3: {  	s6 =	sor.u32 s7, s25  }
0x4: {  	s26 =	sshll.u32 s0, $0xA;
	s2 =	sshll.u32 s6, $0x9  }
0x5: {  	s8 =	sand.u32 $0x3800, s26;
	s1 =	sand.u32 $0x600, s2  }
0x6: {  	v3 =	vlaneseq.u32;
	s2 =	sor.u32 s8, s1  }
0x7: {  	v0 =	vmul.u32 $0x1000, v3;
	v1 =	vmov s2  }
0x8: {  	s3 =	sor.u32 $0x10, s2;
	v1 =	vshll.u32 v1, $0xC  }
0x9: {  	v2 =	vmov s3;
	v1 =	vor.u32 v0, v1  }
0xa: {  	[tilespmem:$0x1FF60] =	vst v1;
	v1 =	vshll.u32 v2, $0xC  }
0xb: {  	s28 =	sor.u32 $0x20, s2;
	v1 =	vor.u32 v0, v1  }
0xc: {  	s4 =	sor.u32 $0x30, s2;
	[tilespmem:$0x1FF70] =	vst v1;
	v1 =	vmov s28  }
0xd: {  	v2 =	vmov s4;
	v1 =	vshll.u32 v1, $0xC  }
0xe: {  	s29 =	sor.u32 $0x40, s2;
	v2 =	vshll.u32 v2, $0xC;
	v1 =	vor.u32 v0, v1  }
0xf: {  	v4 =	vmov s29;
	[tilespmem:$0x1FF80] =	vst v1;
	v1 =	vor.u32 v0, v2  }
0x10: {  	[tilespmem:$0x1FF90] =	vst v1;
	v1 =	vshll.u32 v4, $0xC  }
0x11: {  	v5 =	vimm.s32 $0xFEDCBA9;
	s30 =	sor.u32 $0x50, s2;
	v1 =	vor.u32 v0, v1  }
0x12: {  	v6 =	vimm.s32 $0x87654321;
	v5 =	vunpack.c.l.s4.s8 v5;
	s31 =	sor.u32 $0x60, s2;
	[tilespmem:$0x1FFA0] =	vst v1;
	v1 =	vmov s30  }
0x13: {  	v6 =	vunpack.c.l.s4.s8 v6;
	v2 =	vmov s31;
	v1 =	vshll.u32 v1, $0xC  }
0x14: {  	v5 =	vunpack.c.0.s8.s32 v5;
	s4 =	sor.u32 $0x70, s2;
	v2 =	vshll.u32 v2, $0xC;
	v1 =	vor.u32 v0, v1  }
0x15: {  	v6 =	vunpack.c.0.s8.s32 v6;
	v4 =	vmov s4;
	[tilespmem:$0x1FFB0] =	vst v1;
	v1 =	vor.u32 v0, v2  }
0x16: {  	[tilespmem:$0x1FFC0] =	vst v1;
	v1 =	vshll.u32 v4, $0xC  }
0x17: {  	v32 =	vor.u32 s1, v3;
	v61 =	vcombine.low v6, v5;
	s5 =	sor.u32 $0x80, s2;
	s9 =	sor.u32 $0x90, s2;
	s3 =	sor.u32 $0x10, s1;
	v1 =	vor.u32 v0, v1  }
0x18: {  	v33 =	vor.u32 s3, v3;
	s4 =	sor.u32 $0x20, s1;
	v2 =	vmov s9;
	[tilespmem:$0x1FFD0] =	vst v1;
	v1 =	vmov s5  }
0x19: {  	s10 =	sor.u32 $0xA0, s2;
	v34 =	vor.u32 s4, v3;
	s9 =	sor.u32 $0x50, s1;
	v2 =	vshll.u32 v2, $0xC;
	v1 =	vshll.u32 v1, $0xC  }
0x1a: {  	s12 =	sor.u32 $0xC0, s2;
	v4 =	vmov s10;
	s10 =	sor.u32 $0x60, s1;
	v37 =	vor.u32 s9, v3;
	v1 =	vor.u32 v0, v1  }
0x1b: {  	v38 =	vor.u32 s10, v3;
	s5 =	sor.u32 $0x40, s1;
	[tilespmem:$0x1FFE0] =	vst v1;
	v1 =	vor.u32 v0, v2;
	v2 =	vmov s12  }
0x1c: {  	s13 =	sor.u32 $0xD0, s2;
	v36 =	vor.u32 s5, v3;
	s12 =	sor.u32 $0x30, s1;
	[tilespmem:$0x1FFF0] =	vst v1;
	v1 =	vshll.u32 v4, $0xC;
	v2 =	vshll.u32 v2, $0xC  }
0x1d: {  	s11 =	sor.u32 $0xB0, s2;
	s15 =	sor.u32 $0xF0, s2;
	v4 =	vmov s13;
	v35 =	vor.u32 s12, v3;
	v10 =	vor.u32 v0, v1  }
0x1e: {  	s13 =	sor.u32 $0x90, s1;
	s12 =	sor.u32 $0x140, s1;
	v1 =	vmov s11;
	v12 =	vor.u32 v0, v2;
	v2 =	vmov s15  }
0x1f: {  	s11 =	sor.u32 $0x70, s1;
	s15 =	sor.u32 $0xB0, s1;
	v41 =	vor.u32 s13, v3;
	v51 =	vor.u32 s12, v3;
	v1 =	vshll.u32 v1, $0xC  }
0x20: {  	s16 =	sor.u32 $0x100, s2;
	v2 =	vshll.u32 v2, $0xC;
	v39 =	vor.u32 s11, v3;
	v43 =	vor.u32 s15, v3  }
0x21: {  	s18 =	sor.u32 $0x120, s2;
	s15 =	sor.u32 $0x1B0, s1;
	v11 =	vor.u32 v0, v1;
	v1 =	vshll.u32 v4, $0xC;
	v4 =	vmov s16  }
0x22: {  	s14 =	sor.u32 $0xE0, s2;
	v15 =	vor.u32 v0, v2;
	v2 =	vmov s18;
	v60 =	vor.u32 s15, v3  }
0x23: {  	s16 =	sor.u32 $0xC0, s1;
	s18 =	sor.u32 $0xE0, s1;
	v13 =	vor.u32 v0, v1;
	v1 =	vmov s14;
	v2 =	vshll.u32 v2, $0xC  }
0x24: {  	v44 =	vor.u32 s16, v3;
	v46 =	vor.u32 s18, v3;
	v1 =	vshll.u32 v1, $0xC  }
0x25: {  	s17 =	sor.u32 $0x110, s2;
	s21 =	sor.u32 $0x150, s2;
	v18 =	vor.u32 v0, v2;
	v14 =	vor.u32 v0, v1;
	v1 =	vshll.u32 v4, $0xC  }
0x26: {  	s19 =	sor.u32 $0x130, s2;
	s14 =	sor.u32 $0xA0, s1;
	v2 =	vmov s21;
	v16 =	vor.u32 v0, v1;
	v1 =	vmov s17  }
0x27: {  	s16 =	sor.u32 $0x1C0, s1;
	v42 =	vor.u32 s14, v3;
	v4 =	vmov s19;
	v1 =	vshll.u32 v1, $0xC  }
0x28: {  	s20 =	sor.u32 $0x140, s2;
	v62 =	vor.u32 s16, v3;
	v17 =	vor.u32 v0, v1;
	v1 =	vshll.u32 v4, $0xC  }
0x29: {  	s22 =	sor.u32 $0x160, s2;
	s21 =	sor.u32 $0x120, s1;
	v2 =	vshll.u32 v2, $0xC;
	v19 =	vor.u32 v0, v1;
	v1 =	vmov s20  }
0x2a: {  	v49 =	vor.u32 s21, v3;
	v4 =	vmov s22;
	v1 =	vshll.u32 v1, $0xC  }
0x2b: {  	s23 =	sor.u32 $0x170, s2;
	s24 =	sor.u32 $0x180, s2;
	v21 =	vor.u32 v0, v2;
	v20 =	vor.u32 v0, v1;
	v1 =	vshll.u32 v4, $0xC  }
0x2c: {  	s25 =	sor.u32 $0x190, s2;
	s19 =	sor.u32 $0xF0, s1;
	v2 =	vmov s24;
	v22 =	vor.u32 v0, v1;
	v1 =	vmov s23  }
0x2d: {  	v47 =	vor.u32 s19, v3;
	v4 =	vmov s25;
	v1 =	vshll.u32 v1, $0xC  }
0x2e: {  	s26 =	sor.u32 $0x1A0, s2;
	v2 =	vshll.u32 v2, $0xC;
	v23 =	vor.u32 v0, v1;
	v1 =	vshll.u32 v4, $0xC  }
0x2f: {  	s29 =	sor.u32 $0x1C0, s2;
	s28 =	sor.u32 $0x1B0, s2;
	v24 =	vor.u32 v0, v2;
	v25 =	vor.u32 v0, v1;
	v1 =	vmov s26  }
0x30: {  	v2 =	vmov s28;
	v4 =	vmov s29;
	v1 =	vshll.u32 v1, $0xC  }
0x31: {  	s30 =	sor.u32 $0x1D0, s2;
	v2 =	vshll.u32 v2, $0xC;
	v26 =	vor.u32 v0, v1;
	v1 =	vshll.u32 v4, $0xC  }
0x32: {  	s31 =	sor.u32 $0x1E0, s2;
	s2 =	sor.u32 $0x1F0, s2;
	v27 =	vor.u32 v0, v2;
	v28 =	vor.u32 v0, v1;
	v1 =	vmov s30  }
0x33: {  	v2 =	vmov s31;
	v4 =	vmov s2;
	v1 =	vshll.u32 v1, $0xC  }
0x34: {  	s7 =	ssub.s32 $0x2, s7;
	s6 =	sshll.u32 s6, $0x4;
	s3 =	rddreg [dreg:$0x1];
	v2 =	vshll.u32 v2, $0xC;
	v29 =	vor.u32 v0, v1;
	v1 =	vshll.u32 v4, $0xC  }
0x35: {  	s8 =	sshrl.u32 s8, $0x3;
	s4 =	rddreg [dreg:$0x0];
	s17 =	sor.u32 $0xD0, s1;
	v30 =	vor.u32 v0, v2;
	v31 =	vor.u32 v0, v1;
	v0 =	vimm.s32 $0xFEDCBA98  }
0x36: {  	s5 =	simm.s32 $0x0;
	s24 =	sor.u32 $0x160, s1;
	v45 =	vor.u32 s17, v3;
	s22 =	sor.u32 $0x130, s1;
	v1 =	vimm.s32 $0x76543210;
	v0 =	vunpack.c.l.s4.s8 v0  }
0x37: {  	[smem:$0x7FF] =	sst s5;
	v53 =	vor.u32 s24, v3;
	s20 =	sor.u32 $0x110, s1;
	v50 =	vor.u32 s22, v3;
	s31 =	sor.u32 $0x1A0, s1;
	v1 =	vunpack.c.l.s4.s8 v1  }
0x38: {  	s8 =	sadd.s32 s8, s4;
	_ =	strace $0x8000004A;
	s13 =	simm.s32 $0x800;
	v48 =	vor.u32 s20, v3;
	v58 =	vor.u32 s31, v3;
	v0 =	vunpack.c.0.s8.s32 v0  }
0x39: {  	s12 =	simm.s32 $0x80;
	s15 =	simm.s32 $0x880;
	s18 =	simm.s32 $0xB00;
	v2 =	vimm.s32 $0x10FEDCBA;
	v4 =	vimm.s32 $0x98765432;
	v1 =	vunpack.c.0.s8.s32 v1  }
0x3a: {  	s14 =	simm.s32 $0xA00;
	s16 =	simm.s32 $0xA80;
	s21 =	sor.u32 $0x1D0, s1;
	v2 =	vunpack.c.l.s4.s8 v2;
	v4 =	vunpack.c.l.s4.s8 v4;
	v0 =	vand.u32 $0xF, v0  }
0x3b: {  	s11 =	simm.s32 $0x2;
	s19 =	simm.s32 $0x980;
	s25 =	sor.u32 $0x170, s1;
	v55 =	vcombine.low v0, v1;
	v0 =	vimm.s32 $0x3210FEDC;
	v1 =	vimm.s32 $0xBA987654  }
0x3c: {  	s17 =	simm.s32 $0x900;
	s23 =	sor.u32 $0x150, s1;
	v54 =	vor.u32 s25, v3;
	s26 =	sshrl.u32 s7, $0x1;
	v0 =	vunpack.c.l.s4.s8 v0;
	v1 =	vunpack.c.l.s4.s8 v1  }
0x3d: {  	s28 =	sadd.s32 s6, s4;
	v52 =	vor.u32 s23, v3;
	v2 =	vunpack.c.0.s8.s32 v2;
	s29 =	ssub.s32 s7, s26;
	s7 =	sor.u32 $0x100, s1;
	v4 =	vunpack.c.0.s8.s32 v4  }
0x3e: {  	s6 =	sadd.s32 $0x800000, s8;
	s2 =	sor.u32 $0x80, s1;
	v63 =	vor.u32 s7, v3;
	s30 =	sor.u32 $0x190, s1;
	v0 =	vunpack.c.0.s8.s32 v0;
	v1 =	vunpack.c.0.s8.s32 v1  }
0x3f: {  	s8 =	sor.u32 $0x180, s1;
	s22 =	sor.u32 $0x1E0, s1;
	s9 =	sadd.s32 $0x800800, s28;
	v40 =	vor.u32 s2, v3;
	v56 =	vor.u32 s30, v3;
	v59 =	vcombine.low v4, v2  }
0x40: {  	s20 =	simm.s32 $0xB80;
	s23 =	sor.u32 $0x1F0, s1;
	s10 =	smax.u32 s29, $0x1;
	v2 =	vor.u32 s22, v3;
	v4 =	vimm.s32 $0x0;
	v57 =	vcombine.low v1, v0  }
0x41: {  	s22 =	simm.s32 $0xC00;
	v0 =	vor.u32 s8, v3;
	v1 =	vor.u32 s21, v3;
	v3 =	vor.u32 s23, v3;
	s21 =	simm.s32 $0x1;
	s23 =	simm.s32 $0x0  }
.LBB2_1:
0x42: {  	[tilespmem:s5], [sflag:$0x2] =	stream.linear.gather [hbm4b:s6+s5], $0x800, $0x38;
	[tilespmem:$0xC80] =	vst v63  }
0x43: {  	_ =	swait.ge [sflag:s11], $0x800  }
0x44: {  	[sflag:s11] =	ssyncset.done $0x0  }
0x45: {  	s25 =	simm.s32 $0x0;
	[sflag:s11] =	ssyncadd.s32 $0xFFFFF800  }
0x46: {  	v6 =	vld [tilespmem:s25+$0x0]  }
0x47: {  	s24 =	simm.s32 $0x40;
	v5 =	vimm.s32 $0x0  }
.LBB2_2:
0x48: {  	p0 =	sne.s32 s24, $0x1FC0  }
.Ltmp0:
0x49: {  	_ = 	snop;
	(pc) =	sbr.rel @p0 .LBB2_2-.Ltmp0, $4  }
0x4a: {  	_ = 	snop  }
0x4b: {  	s25 =	sshra.s32 s24, $0x2;
	s24 =	sadd.s32 $0x40, s24;
	vm0 =	vne.s32 v6, $0x0  }
0x4c: {  	v6 =	vld [tilespmem:s25+$0x0];
	v7 =	vsel vm0, $0x1, v4  }
0x4d: {  	v5 =	vadd.s32 v7, v5  }
0x4e: {  	v7 =	vld [tilespmem:s1+$0x0]  }
0x4f: {  	v8 =	vld [tilespmem:$0x1FF60];
	_ =	sdelay $0x4  }
0x50: {  	v7 =	vadd.s32 v8, v7  }
0x51: {  	v8 =	vld [tilespmem:$0x1FF70];
	[tilespmem:$0x800] =	vst v7  }
0x52: {  	v7 =	vld [tilespmem:s1+$0x10];
	_ =	sdelay $0x4  }
0x53: {  	v7 =	vadd.s32 v8, v7  }
0x54: {  	v8 =	vld [tilespmem:$0x1FF80];
	[tilespmem:$0x810] =	vst v7  }
0x55: {  	v7 =	vld [tilespmem:s1+$0x20];
	_ =	sdelay $0x4  }
0x56: {  	v7 =	vadd.s32 v8, v7  }
0x57: {  	v8 =	vld [tilespmem:$0x1FF90];
	[tilespmem:$0x820] =	vst v7  }
0x58: {  	v7 =	vld [tilespmem:s1+$0x30];
	_ =	sdelay $0x4  }
0x59: {  	v7 =	vadd.s32 v8, v7  }
0x5a: {  	v8 =	vld [tilespmem:$0x1FFA0];
	[tilespmem:$0x830] =	vst v7  }
0x5b: {  	v7 =	vld [tilespmem:s1+$0x40];
	_ =	sdelay $0x4  }
0x5c: {  	v7 =	vadd.s32 v8, v7  }
0x5d: {  	v8 =	vld [tilespmem:$0x1FFB0];
	[tilespmem:$0x840] =	vst v7  }
0x5e: {  	v7 =	vld [tilespmem:s1+$0x50];
	_ =	sdelay $0x4  }
0x5f: {  	v7 =	vadd.s32 v8, v7  }
0x60: {  	v8 =	vld [tilespmem:$0x1FFC0];
	[tilespmem:$0x850] =	vst v7  }
0x61: {  	v7 =	vld [tilespmem:s1+$0x60];
	_ =	sdelay $0x4  }
0x62: {  	v7 =	vadd.s32 v8, v7  }
0x63: {  	v8 =	vld [tilespmem:$0x1FFD0];
	[tilespmem:$0x860] =	vst v7  }
0x64: {  	v7 =	vld [tilespmem:s1+$0x70];
	_ =	sdelay $0x4  }
0x65: {  	v7 =	vadd.s32 v8, v7  }
0x66: {  	v8 =	vld [tilespmem:$0x1FFE0];
	[tilespmem:$0x870] =	vst v7  }
0x67: {  	v7 =	vld [tilespmem:s2+$0x0];
	_ =	sdelay $0x4  }
0x68: {  	v7 =	vadd.s32 v8, v7  }
0x69: {  	v8 =	vld [tilespmem:$0x1FFF0];
	[tilespmem:$0x880] =	vst v7  }
0x6a: {  	v7 =	vld [tilespmem:s1+$0x90];
	_ =	sdelay $0x4  }
0x6b: {  	v7 =	vadd.s32 v8, v7  }
0x6c: {  	[tilespmem:$0x890] =	vst v7  }
0x6d: {  	v7 =	vld [tilespmem:s1+$0xA0];
	_ =	sdelay $0x4  }
0x6e: {  	v7 =	vadd.s32 v10, v7  }
0x6f: {  	[tilespmem:$0x8A0] =	vst v7  }
0x70: {  	v7 =	vld [tilespmem:s1+$0xB0];
	_ =	sdelay $0x4  }
0x71: {  	v7 =	vadd.s32 v11, v7  }
0x72: {  	[tilespmem:$0x8B0] =	vst v7  }
0x73: {  	v7 =	vld [tilespmem:s1+$0xC0];
	_ =	sdelay $0x4  }
0x74: {  	v7 =	vadd.s32 v12, v7  }
0x75: {  	[tilespmem:$0x8C0] =	vst v7  }
0x76: {  	v7 =	vld [tilespmem:s1+$0xD0];
	_ =	sdelay $0x4  }
0x77: {  	v7 =	vadd.s32 v13, v7  }
0x78: {  	[tilespmem:$0x8D0] =	vst v7  }
0x79: {  	v7 =	vld [tilespmem:s1+$0xE0];
	_ =	sdelay $0x4  }
0x7a: {  	v7 =	vadd.s32 v14, v7  }
0x7b: {  	[tilespmem:$0x8E0] =	vst v7  }
0x7c: {  	v7 =	vld [tilespmem:s1+$0xF0];
	_ =	sdelay $0x4  }
0x7d: {  	v7 =	vadd.s32 v15, v7  }
0x7e: {  	[tilespmem:$0x8F0] =	vst v7  }
0x7f: {  	v7 =	vld [tilespmem:s7+$0x0];
	_ =	sdelay $0x4  }
0x80: {  	v7 =	vadd.s32 v16, v7  }
0x81: {  	[tilespmem:$0x900] =	vst v7  }
0x82: {  	v7 =	vld [tilespmem:s1+$0x110];
	_ =	sdelay $0x4  }
0x83: {  	v7 =	vadd.s32 v17, v7  }
0x84: {  	[tilespmem:$0x910] =	vst v7  }
0x85: {  	v7 =	vld [tilespmem:s1+$0x120];
	_ =	sdelay $0x4  }
0x86: {  	v7 =	vadd.s32 v18, v7  }
0x87: {  	[tilespmem:$0x920] =	vst v7  }
0x88: {  	v7 =	vld [tilespmem:s1+$0x130];
	_ =	sdelay $0x4  }
0x89: {  	v7 =	vadd.s32 v19, v7  }
0x8a: {  	[tilespmem:$0x930] =	vst v7  }
0x8b: {  	v7 =	vld [tilespmem:s1+$0x140];
	_ =	sdelay $0x4  }
0x8c: {  	v7 =	vadd.s32 v20, v7  }
0x8d: {  	[tilespmem:$0x940] =	vst v7  }
0x8e: {  	v7 =	vld [tilespmem:s1+$0x150];
	_ =	sdelay $0x4  }
0x8f: {  	v7 =	vadd.s32 v21, v7  }
0x90: {  	[tilespmem:$0x950] =	vst v7  }
0x91: {  	v7 =	vld [tilespmem:s1+$0x160];
	_ =	sdelay $0x4  }
0x92: {  	v7 =	vadd.s32 v22, v7  }
0x93: {  	[tilespmem:$0x960] =	vst v7  }
0x94: {  	v7 =	vld [tilespmem:s1+$0x170];
	_ =	sdelay $0x4  }
0x95: {  	v7 =	vadd.s32 v23, v7  }
0x96: {  	[tilespmem:$0x970] =	vst v7  }
0x97: {  	v7 =	vld [tilespmem:s8+$0x0];
	_ =	sdelay $0x4  }
0x98: {  	v7 =	vadd.s32 v24, v7  }
0x99: {  	[tilespmem:$0x980] =	vst v7  }
0x9a: {  	v7 =	vld [tilespmem:s1+$0x190];
	_ =	sdelay $0x4  }
0x9b: {  	v7 =	vadd.s32 v25, v7  }
0x9c: {  	[tilespmem:$0x990] =	vst v7  }
0x9d: {  	v7 =	vld [tilespmem:s1+$0x1A0];
	_ =	sdelay $0x4  }
0x9e: {  	v7 =	vadd.s32 v26, v7  }
0x9f: {  	[tilespmem:$0x9A0] =	vst v7  }
0xa0: {  	v7 =	vld [tilespmem:s1+$0x1B0];
	_ =	sdelay $0x4  }
0xa1: {  	v7 =	vadd.s32 v27, v7  }
0xa2: {  	[tilespmem:$0x9B0] =	vst v7  }
0xa3: {  	v7 =	vld [tilespmem:s1+$0x1C0];
	_ =	sdelay $0x4  }
0xa4: {  	v7 =	vadd.s32 v28, v7  }
0xa5: {  	[tilespmem:$0x9C0] =	vst v7  }
0xa6: {  	v7 =	vld [tilespmem:s1+$0x1D0];
	_ =	sdelay $0x4  }
0xa7: {  	v7 =	vadd.s32 v29, v7  }
0xa8: {  	[tilespmem:$0x9D0] =	vst v7  }
0xa9: {  	v7 =	vld [tilespmem:s1+$0x1E0];
	_ =	sdelay $0x4  }
0xaa: {  	v7 =	vadd.s32 v30, v7  }
0xab: {  	[tilespmem:$0x9E0] =	vst v7  }
0xac: {  	v7 =	vld [tilespmem:s1+$0x1F0];
	_ =	sdelay $0x4  }
0xad: {  	v7 =	vadd.s32 v31, v7  }
0xae: {  	[tilespmem:$0x9F0] =	vst v7  }
0xaf: {  	[tilespmem:s14], [sflag:$0x1] =	stream.indirect.gather [hbm4b:s4+s12], $0x1, s13, s12, $0xb8;
	[tilespmem:$0xC80] =	vst v63  }
0xb0: {  	_ = 	snop  }
0xb1: {  	[tilespmem:s16], [sflag:$0x1] =	stream.indirect.gather [hbm4b:s4+s12], $0x1, s15, s12, $0xb8;
	[tilespmem:$0xC80] =	vst v63  }
0xb2: {  	_ = 	snop  }
0xb3: {  	[tilespmem:s18], [sflag:$0x1] =	stream.indirect.gather [hbm4b:s4+s12], $0x1, s17, s12, $0xb8;
	[tilespmem:$0xC80] =	vst v63  }
0xb4: {  	_ = 	snop  }
0xb5: {  	[tilespmem:s20], [sflag:$0x1] =	stream.indirect.gather [hbm4b:s4+s12], $0x1, s19, s12, $0xb8;
	[tilespmem:$0xC80] =	vst v63  }
0xb6: {  	_ =	swait.ge [sflag:s21], $0x80  }
0xb7: {  	[sflag:s21] =	ssyncset.done $0x0  }
0xb8: {  	[sflag:s21] =	ssyncadd.s32 $0xFFFFFF80  }
0xb9: {  	vm0 =	vne.s32 v6, $0x0;
	_ =	swait.ge [sflag:s21], $0x80  }
0xba: {  	v6 =	vsel vm0, $0x1, v4;
	[sflag:s21] =	ssyncset.done $0x0  }
0xbb: {  	v5 =	vadd.s32 v6, v5;
	[sflag:s21] =	ssyncadd.s32 $0xFFFFFF80  }
0xbc: {  	v6 =	vperm.xlane v5, v55;
	_ =	swait.ge [sflag:s21], $0x80  }
0xbd: {  	[sflag:s21] =	ssyncset.done $0x0  }
0xbe: {  	v5 =	vadd.s32 v5, v6;
	[sflag:s21] =	ssyncadd.s32 $0xFFFFFF80  }
0xbf: {  	v6 =	vperm.xlane v5, v57;
	_ =	swait.ge [sflag:s21], $0x80  }
0xc0: {  	[sflag:s21] =	ssyncset.done $0x0  }
0xc1: {  	v5 =	vadd.s32 v6, v5;
	[sflag:s21] =	ssyncadd.s32 $0xFFFFFF80  }
0xc2: {  	v6 =	vperm.xlane v5, v59;
	v7 =	vld [tilespmem:$0xA00];
	_ =	sdelay $0x1  }
0xc3: {  	v5 =	vadd.s32 v6, v5;
	v6 =	vld [tilespmem:$0xA10]  }
0xc4: {  	v8 =	vperm.xlane v5, v61  }
0xc5: {  	v9 =	vld [tilespmem:$0xA20]  }
0xc6: {  	v5 =	vadd.s32 v8, v5;
	v7 =	vadd.f32 $0.0e+00, v7  }
0xc7: {  	vm9 =	vlt.s32 v32, v5;
	vm1 =	vlt.s32 v33, v5;
	v8 =	vld [tilespmem:$0xA30]  }
0xc8: {  	v6 =	vnsel vm1, $0x0, v6;
	v7 =	vnsel vm9, $0x0, v7  }
0xc9: {  	vm10 =	vlt.s32 v34, v5;
	v6 =	vadd.f32 v6, v7;
	v7 =	vld [tilespmem:$0xA40]  }
0xca: {  	v9 =	vnsel vm10, $0x0, v9  }
0xcb: {  	vm11 =	vlt.s32 v35, v5;
	v6 =	vadd.f32 v9, v6;
	v9 =	vld [tilespmem:$0xA50]  }
0xcc: {  	v8 =	vnsel vm11, $0x0, v8  }
0xcd: {  	vm12 =	vlt.s32 v36, v5;
	v6 =	vadd.f32 v8, v6;
	v8 =	vld [tilespmem:$0xA60]  }
0xce: {  	v7 =	vnsel vm12, $0x0, v7  }
0xcf: {  	vm13 =	vlt.s32 v37, v5;
	v6 =	vadd.f32 v7, v6;
	v7 =	vld [tilespmem:$0xA70]  }
0xd0: {  	v9 =	vnsel vm13, $0x0, v9  }
0xd1: {  	vm14 =	vlt.s32 v38, v5;
	v6 =	vadd.f32 v9, v6;
	v9 =	vld [tilespmem:$0xA80]  }
0xd2: {  	v8 =	vnsel vm14, $0x0, v8  }
0xd3: {  	vm15 =	vlt.s32 v39, v5;
	v6 =	vadd.f32 v8, v6;
	v8 =	vld [tilespmem:$0xA90]  }
0xd4: {  	v7 =	vnsel vm15, $0x0, v7  }
0xd5: {  	vm4 =	vlt.s32 v40, v5;
	v6 =	vadd.f32 v7, v6;
	v7 =	vld [tilespmem:$0xAA0]  }
0xd6: {  	v9 =	vnsel vm4, $0x0, v9  }
0xd7: {  	vm5 =	vlt.s32 v41, v5;
	v6 =	vadd.f32 v9, v6;
	v9 =	vld [tilespmem:$0xAB0]  }
0xd8: {  	v8 =	vnsel vm5, $0x0, v8  }
0xd9: {  	vm6 =	vlt.s32 v42, v5;
	v6 =	vadd.f32 v8, v6;
	v8 =	vld [tilespmem:$0xAC0]  }
0xda: {  	v7 =	vnsel vm6, $0x0, v7  }
0xdb: {  	vm7 =	vlt.s32 v43, v5;
	v6 =	vadd.f32 v7, v6;
	v7 =	vld [tilespmem:$0xAD0]  }
0xdc: {  	v9 =	vnsel vm7, $0x0, v9  }
0xdd: {  	vm8 =	vlt.s32 v44, v5;
	v6 =	vadd.f32 v9, v6;
	v9 =	vld [tilespmem:$0xAE0]  }
0xde: {  	v8 =	vnsel vm8, $0x0, v8  }
0xdf: {  	vm9 =	vlt.s32 v45, v5;
	v6 =	vadd.f32 v8, v6;
	v8 =	vld [tilespmem:$0xAF0]  }
0xe0: {  	v7 =	vnsel vm9, $0x0, v7  }
0xe1: {  	vm10 =	vlt.s32 v46, v5;
	v6 =	vadd.f32 v7, v6;
	v7 =	vld [tilespmem:$0xB00]  }
0xe2: {  	v9 =	vnsel vm10, $0x0, v9  }
0xe3: {  	vm11 =	vlt.s32 v47, v5;
	v6 =	vadd.f32 v9, v6;
	v9 =	vld [tilespmem:$0xB10]  }
0xe4: {  	v8 =	vnsel vm11, $0x0, v8  }
0xe5: {  	vm12 =	vlt.s32 v63, v5;
	v6 =	vadd.f32 v8, v6;
	v8 =	vld [tilespmem:$0xB20]  }
0xe6: {  	v7 =	vnsel vm12, $0x0, v7  }
0xe7: {  	vm13 =	vlt.s32 v48, v5;
	v6 =	vadd.f32 v7, v6;
	v7 =	vld [tilespmem:$0xB30]  }
0xe8: {  	v9 =	vnsel vm13, $0x0, v9  }
0xe9: {  	vm14 =	vlt.s32 v49, v5;
	v6 =	vadd.f32 v9, v6;
	v9 =	vld [tilespmem:$0xB40]  }
0xea: {  	v8 =	vnsel vm14, $0x0, v8  }
0xeb: {  	vm15 =	vlt.s32 v50, v5;
	v6 =	vadd.f32 v8, v6;
	v8 =	vld [tilespmem:$0xB50]  }
0xec: {  	v7 =	vnsel vm15, $0x0, v7  }
0xed: {  	vm4 =	vlt.s32 v51, v5;
	v6 =	vadd.f32 v7, v6;
	v7 =	vld [tilespmem:$0xB60]  }
0xee: {  	v9 =	vnsel vm4, $0x0, v9  }
0xef: {  	vm5 =	vlt.s32 v52, v5;
	v6 =	vadd.f32 v9, v6;
	v9 =	vld [tilespmem:$0xB70]  }
0xf0: {  	v8 =	vnsel vm5, $0x0, v8  }
0xf1: {  	vm6 =	vlt.s32 v53, v5;
	v6 =	vadd.f32 v8, v6;
	v8 =	vld [tilespmem:$0xB80]  }
0xf2: {  	v7 =	vnsel vm6, $0x0, v7  }
0xf3: {  	vm7 =	vlt.s32 v54, v5;
	v6 =	vadd.f32 v7, v6;
	v7 =	vld [tilespmem:$0xB90]  }
0xf4: {  	v9 =	vnsel vm7, $0x0, v9  }
0xf5: {  	vm8 =	vlt.s32 v0, v5;
	v6 =	vadd.f32 v9, v6;
	v9 =	vld [tilespmem:$0xBA0]  }
0xf6: {  	v8 =	vnsel vm8, $0x0, v8  }
0xf7: {  	vm9 =	vlt.s32 v56, v5;
	v6 =	vadd.f32 v8, v6;
	v8 =	vld [tilespmem:$0xBB0]  }
0xf8: {  	v7 =	vnsel vm9, $0x0, v7  }
0xf9: {  	vm10 =	vlt.s32 v58, v5;
	v6 =	vadd.f32 v7, v6;
	v7 =	vld [tilespmem:$0xBC0]  }
0xfa: {  	v9 =	vnsel vm10, $0x0, v9  }
0xfb: {  	vm11 =	vlt.s32 v60, v5;
	v6 =	vadd.f32 v9, v6;
	v9 =	vld [tilespmem:$0xBD0]  }
0xfc: {  	v8 =	vnsel vm11, $0x0, v8  }
0xfd: {  	vm12 =	vlt.s32 v62, v5;
	v6 =	vadd.f32 v8, v6;
	v8 =	vld [tilespmem:$0xBE0]  }
0xfe: {  	v7 =	vnsel vm12, $0x0, v7  }
0xff: {  	vm13 =	vlt.s32 v1, v5;
	v6 =	vadd.f32 v7, v6;
	v7 =	vld [tilespmem:$0xBF0]  }
0x100: {  	v9 =	vnsel vm13, $0x0, v9  }
0x101: {  	vm14 =	vlt.s32 v2, v5;
	v6 =	vadd.f32 v9, v6  }
0x102: {  	v8 =	vnsel vm14, $0x0, v8  }
0x103: {  	vm15 =	vlt.s32 v3, v5;
	v6 =	vadd.f32 v8, v6  }
0x104: {  	v5 =	vnsel vm15, $0x0, v7  }
0x105: {  	s23 =	sadd.s32 $0x1, s23;
	v5 =	vadd.f32 v5, v6  }
0x106: {  	p0 =	sne.s32 s23, s10  }
.Ltmp1:
0x107: {  	[tilespmem:$0xC00] =	vst v5;
	(pc) =	sbr.rel @p0 .LBB2_1-.Ltmp1, $4  }
0x108: {  	[hbm4b:s9+s5] =	stream.linear.scatter [tilespmem:s22], [sflag:$0x2], $0x80, $0x38;
	[tilespmem:$0xC80] =	vst v63  }
0x109: {  	_ =	swait.ge [sflag:s11], $0x80  }
0x10a: {  	[sflag:s11] =	ssyncset.done $0x0  }
0x10b: {  	[sflag:s11] =	ssyncadd.s32 $0xFFFFFF80  }
0x10c: {  	_ =	sfence.sel $0x180000  }
0x10d: {  	[bflag:$0x0] =	sbarrier.arrive $0xFFFF  }
0x10e: {  	p0 =	sne.s32 s0, $0x0;
	_ =	strace $0x9000004A  }
0x10f: {  	s0 =	sadd.s32 @!p0 $0x100000, s3;
	[bflag:$0x2] =	sbarrier.arrive $0xFFFF  }
0x110: {  	[sflag:s0] =	ssyncadd.tile.s32 @!p0 $0x1;
	_ =	shalt  }
.Lfunc_end2:
_tile_overlayer_lowered:
.L_overlay_start_2:
0x111: {  	(tag) =	ssettag $0x2  }
0x112: {  	s0 =	rddreg [dreg:$0x0];
	s2 =	stileid.u32  }
0x113: {  	s1 =	rddreg [dreg:$0x1];
	p0 =	sne.s32 s2, $0x0  }
0x114: {  	s3 =	rddreg [dreg:$0x2];
	[bflag:$0x3] =	sbarrier.arrive $0xFFFF;
	s2 =	simm.s32 @!p0 $0x1C02  }
0x115: {  	[timem:s3], [sflag:s2] =	dma.local @!p0 [hbm:s0], s1  }
0x116: {  	s0 =	simm.s32 @!p0 $0x2  }
0x117: {  	_ =	swait.ge @!p0 [sflag:s0], s1  }
0x118: {  	s1 =	ssub.s32 @!p0 $0x0, s1;
	[sflag:s0] =	ssyncset.done @!p0 $0x0  }
0x119: {  	[sflag:s0] =	ssyncadd.s32 @!p0 s1  }
0x11a: {  	[bflag:$0x3] =	sbarrier.arrive $0xFFFF  }
0x11b: {  	_ =	shalt  }

// kernel: sparse-core-data-format-call.cloned.1.call-start
scs
called_computation_lowered:
.L_overlay_start_0:
0x0: {  	s2 =	sld [smem:$0x3FD9]  }
0x1: {  	s3 =	sld [smem:$0x3FFE];
	_ =	sdelay $0x1  }
0x2: {  	s1 =	srdreg.scid  }
0x3: {  	s0 =	sand.u32 $0x1, s1  }
0x4: {  	s18 =	sshll.u32 s0, $0xA;
	s2 =	sadd.s32 s3, s2  }
0x5: {  	s2 =	sadd.s32 s2, s18  }
0x6: {  	[smem:$0x3FC6] =	sst s2  }
0x7: {  	_ = 	snop  }
0x8: {  	s2 =	sld [smem:$0x3FC8];
	(tm) =	ssettm $0x1  }
0x9: {  	s19 =	sld [smem:$0x3FFB];
	_ =	sdelay $0x3  }
0xa: {  	_ =	strace s19  }
0xb: {  	s3 =	sld [smem:$0x3FFC];
	_ =	sdelay $0x3  }
0xc: {  	_ =	strace s3  }
0xd: {  	s3 =	sld [smem:$0x3FFD];
	_ =	sdelay $0x3  }
0xe: {  	_ =	strace s3  }
0xf: {  	_ =	strace $0x8FFFFFFF  }
0x10: {  	s20 =	sld [smem:$0x3FDB];
	_ =	sdelay $0x1  }
0x11: {  	s4 =	simm.s32 $_scs_section_size  }
0x12: {  	s5 =	simm.s32 $_size__tile_overlayer_lowered;
	s6 =	simm.s32 $_tile_overlayer_lowered  }
0x13: {  	s23 =	simm.s32 $0x1BFF;
	s22 =	sshll.u32 s6, $0x1;
	s3 =	sadd.s32 s4, s20  }
0x14: {  	s7 =	simm.s32 $0x0;
	s21 =	sshll.u32 s5, $0x1;
	s5 =	sadd.s32 s22, s3  }
0x15: {  	[timem:s7], [sflag:s23] =	dma.local [hbm:s5], s21  }
0x16: {  	_ =	swait.ge [sflag:s23], s21  }
0x17: {  	s4 =	ssub.s32 $0x0, s21;
	[sflag:s23] =	ssyncset.done $0x0  }
0x18: {  	[sflag:s23] =	ssyncadd.s32 s4;
	_ =	sdelay $0x1  }
0x19: {  	s24 =	simm.s32 $0x1B8B  }
0x1a: {  	_ =	swait.ge [sflag:s24], $0x1  }
0x1b: {  	[sflag:s24] =	ssyncset.done $0x0  }
0x1c: {  	s26 =	simm.s32 $0x1B8E;
	s25 =	sld [smem:$0x3FFE];
	[sflag:s24] =	ssyncadd.s32 $0xFFFFFFFF  }
0x1d: {  	s27 =	simm.s32 $execute0_lowered;
	[smem:$0x3FD2] =	sst s26  }
0x1e: {  	s5 =	sshll.u32 s27, $0x1;
	_ =	strace $0x80000046;
	[dreg:$0x1] =	wrdreg $0xFFFFFFFF  }
0x1f: {  	s28 =	simm.s32 $_size_execute0_lowered;
	s3 =	sadd.s32 s3, s5;
	[dreg:$0x0] =	wrdreg $0x0  }
0x20: {  	s5 =	sshll.u32 s28, $0x1;
	[dreg:$0x2] =	wrdreg s3  }
0x21: {  	[dreg:$0x3] =	wrdreg s5  }
0x22: {  	[dreg:$0x4] =	wrdreg $0xC0  }
0x23: {  	_ =	task [dreg:s7], $0x5FFFF  }
0x24: {  	[dreg:$0x1] =	wrdreg $0xFFFFFFFF  }
0x25: {  	[dreg:$0x0] =	wrdreg $0x60  }
0x26: {  	[dreg:$0x2] =	wrdreg s2  }
0x27: {  	[dreg:$0x3] =	wrdreg s25  }
0x28: {  	[dreg:$0x4] =	wrdreg $0x9  }
0x29: {  	_ =	task.clear_ibuf [dreg:s7], $0x5FFFF;
	_ =	strace $0x90000046  }
0x2a: {  	s29 =	simm.s32 $0x9;
	_ =	strace $0x80000048  }
0x2b: {  	_ =	swait.ge [sflag:s29], $0x1  }
0x2c: {  	[sflag:s29] =	ssyncadd.s32 $0xFFFFFFFF  }
0x2d: {  	_ =	strace $0x90000048  }
0x2e: {  	_ =	sfence  }
0x2f: {  	s30 =	sld [smem:$0x0];
	_ =	sdelay $0x2  }
0x30: {  	s31 =	sshll.u32 s1, $0xD;
	s1 =	sshrl.u32 s1, $0x2  }
0x31: {  	s3 =	sand.u32 $0x4000, s31;
	s1 =	sadd.s32 s1, s30  }
0x32: {  	s0 =	sor.u32 s3, s0;
	s1 =	sshll.u32 s1, $0x11  }
0x33: {  	s0 =	sor.u32 s1, s0  }
0x34: {  	s0 =	sadd.s32 $0x8F2B, s0  }
0x35: {  	[sflag:s0] =	ssyncadd.remote.s32 $0x1  }
0x36: {  	_ =	sfence.sel $0xFFFF  }
0x37: {  	[dreg:$0x0] =	wrdreg $0xFFFFFFFF;
	(pc) =	sbr.abs _section_cstart, $3  }
0x38: {  	[dreg:$0x1] =	wrdreg $0xFFFFFFFF  }
0x39: {  	_ =	task.clear_ibuf [dreg:s7], $0x2FFFF;
	_ =	strace $0x9FFFFFFF  }
0x3a: {  	(tm) =	ssettm $0x7FFFFFFF  }
0x3b: {  	_ =	shalt  }
tec
execute0_lowered:
.L_overlay_start_1:
0x0: {  	(tag) =	ssettag $0x1  }
0x1: {  	s2 =	rddreg [dreg:$0x0]  }
0x2: {  	s3 =	rddreg [dreg:$0x1]  }
0x3: {  	s0 =	rddreg [dreg:$0x2];
	_ =	strace $0x80000047  }
0x4: {  	s4 =	srdreg.scid;
	s1 =	stileid.u32;
	s6 =	simm.s32 $0x2  }
.Ltmp0:
0x5: {  	s11 =	simm.s32 $0x0;
	p0 =	por $0x0, $0x0;
	(pc) =	sbr.rel .LBB1_1-.Ltmp0, $4  }
0x6: {  	s7 =	simm.s32 $0x1000;
	s12 =	simm.s32 $0x0;
	s5 =	sshll.u32 s4, $0x4  }
0x7: {  	s9 =	simm.s32 $0x0;
	s4 =	simm.s32 $0x1;
	s5 =	sand.u32 $0x10, s5  }
0x8: {  	s8 =	simm.s32 $0x0;
	[sflag:s4] =	ssyncpa.u1 $0x0;
	s5 =	sor.u32 s1, s5  }
0x9: {  	[sflag:s6] =	ssyncpa.u1 $0x0;
	s6 =	simm.s32 $0x800;
	s10 =	smov.u32 s5  }
.LBB1_7:
0xa: {  	s13 =	sadd.s32 $0x10, s9  }
0xb: {  	s11 =	sadd.s32 $0x20, s10;
	s15 =	smov.u32 s10;
	p2 =	sgt.s32 s13, $0x1F  }
0xc: {  	p1 =	slt.u32 s8, $0x2;
	s15 =	smov.u32 @p2 s11  }
0xd: {  	s8 =	sadd.s32 $0x1, s8;
	s13 =	simm.s32 @p2 $0x0;
	p2 =	sgt.s32 s15, $0x7FF  }
0xe: {  	s15 =	smov.u32 @p2 s5;
	p2 =	sne.s32 s8, $0x82  }
.Ltmp1:
0xf: {  	_ = 	snop;
	(pc) =	sbr.rel @!p2 .LBB1_8-.Ltmp1, $4  }
0x10: {  	s14 =	simm.s32 @!p1 $0x2  }
0x11: {  	s12 =	smov.u32 s10;
	_ =	swait.ge @!p1 [sflag:s14], $0x4000  }
0x12: {  	p0 =	por !p0, !p0;
	s11 =	smov.u32 s9;
	[sflag:s14] =	ssyncset.done @!p1 $0x0  }
0x13: {  	s9 =	smov.u32 s13;
	[sflag:s14] =	ssyncadd.s32 @!p1 $0xFFFFC000;
	s10 =	smov.u32 s15  }
.LBB1_1:
0x14: {  	p1 =	sgt.u32 s8, $0x7F  }
0x15: {  	s13 =	sxor.u32 @!p1 $0xFFFFFFFF, s8;
	s14 =	sshll.u32 @!p1 s10, $0xC  }
0x16: {  	s15 =	sshll.u32 @!p1 s9, $0x7;
	s13 =	sshll.u32 @!p1 s13, $0xE;
	s14 =	sadd.s32 @!p1 s2, s14  }
0x17: {  	s13 =	sand.u32 @!p1 $0x4000, s13;
	s14 =	sadd.s32 @!p1 s15, s14;
	s15 =	simm.s32 @!p1 $0x0  }
0x18: {  	[tilespmem:s13], [sflag:$0x1] =	stream.linear.gather @!p1 [hbm4b:s14+s15], $0x4000, $0x38;
	[tilespmem:$0x10000] =	vst v63  }
0x19: {  	p1 =	seq.s32 s8, $0x0  }
0x1a: {  	p2 =	seq.s32 @!p1 s8, $0x81  }
0x1b: {  	p1 =	por p1, p2  }
.Ltmp2:
0x1c: {  	_ = 	snop;
	(pc) =	sbr.rel @p1 .LBB1_7-.Ltmp2, $1  }
0x1d: {  	_ =	sdelay $0x3  }
0x1e: {  	s13 =	simm.s32 $0x1;
	_ =	swait.ge [sflag:s4], $0x4000;
	s16 =	sshll.u32 s8, $0xE  }
0x1f: {  	s13 =	simm.s32 @!p0 $0x0;
	[sflag:s4] =	ssyncset.done $0x0;
	s31 =	sand.u32 $0x4000, s16  }
0x20: {  	s16 =	simm.s32 $0x0;
	s14 =	sshll.u32 s13, $0xE;
	[sflag:s4] =	ssyncadd.s32 $0xFFFFC000  }
0x21: {  	s13 =	sor.u32 $0x8040, s14;
	s15 =	sor.u32 $0x40, s14;
	s14 =	sor.u32 $0x8000, s31  }
.LBB1_3:
0x22: {  	v0 =	vmov s15;
	_ =	sdelay $0x3  }
0x23: {  	s18 =	simm.s32 $0x0  }
0x24: {  	v6 =	vld.idx.msk [tilespmem:v0+s18+$0x30 ss:$0x1], $0xffff  }
0x25: {  	v7 =	vld.idx.msk [tilespmem:v0+s18+$0xFFFFFFC0 ss:$0x1], $0xffff  }
0x26: {  	v5 =	vld.idx.msk [tilespmem:v0+s18+$0xFFFFFFD0 ss:$0x1], $0xffff  }
0x27: {  	v4 =	vld.idx.msk [tilespmem:v0+s18+$0xFFFFFFE0 ss:$0x1], $0xffff  }
0x28: {  	v3 =	vld.idx.msk [tilespmem:v0+s18+$0xFFFFFFF0 ss:$0x1], $0xffff  }
0x29: {  	v1 =	vld.idx.msk [tilespmem:v0+s18+$0x0 ss:$0x1], $0xffff  }
0x2a: {  	v2 =	vld.idx.msk [tilespmem:v0+s18+$0x10 ss:$0x1], $0xffff;
	[tilespmem:s13+$0x30] =	vst v6  }
0x2b: {  	s17 =	simm.s32 $0x80;
	s19 =	simm.s32 $0x400;
	[tilespmem:s13+$0xFFFFFFC0] =	vst v7;
	v6 =	vld.idx.msk [tilespmem:v0+s18+$0x20 ss:$0x1], $0xffff;
	s18 =	smov.u32 s13  }
.LBB1_4:
0x2c: {  	p1 =	sne.s32 s19, $0xE00;
	v7 =	vld.idx.msk [tilespmem:v0+s17+$0x30 ss:$0x1], $0xffff;
	[tilespmem:s18+$0xFFFFFFD0] =	vst v5  }
0x2d: {  	v8 =	vld.idx.msk [tilespmem:v0+s17+$0xFFFFFFC0 ss:$0x1], $0xffff;
	[tilespmem:s18+$0xFFFFFFE0] =	vst v4  }
0x2e: {  	v5 =	vld.idx.msk [tilespmem:v0+s17+$0xFFFFFFD0 ss:$0x1], $0xffff;
	[tilespmem:s18+$0xFFFFFFF0] =	vst v3  }
.Ltmp3:
0x2f: {  	v4 =	vld.idx.msk [tilespmem:v0+s17+$0xFFFFFFE0 ss:$0x1], $0xffff;
	[tilespmem:s18+$0x0] =	vst v1;
	(pc) =	sbr.rel @p1 .LBB1_4-.Ltmp3, $4  }
0x30: {  	v3 =	vld.idx.msk [tilespmem:v0+s17+$0xFFFFFFF0 ss:$0x1], $0xffff;
	[tilespmem:s18+$0x10] =	vst v2  }
0x31: {  	v1 =	vld.idx.msk [tilespmem:v0+s17+$0x0 ss:$0x1], $0xffff;
	[tilespmem:s18+$0x20] =	vst v6;
	s18 =	sadd.s32 $0x800, s18  }
0x32: {  	v2 =	vld.idx.msk [tilespmem:v0+s17+$0x10 ss:$0x1], $0xffff;
	[tilespmem:s18+$0x30] =	vst v7  }
0x33: {  	[tilespmem:s18+$0xFFFFFFC0] =	vst v8;
	v6 =	vld.idx.msk [tilespmem:v0+s17+$0x20 ss:$0x1], $0xffff;
	s17 =	sshra.s32 s19, $0x2;
	s19 =	sadd.s32 $0x200, s19  }
0x34: {  	_ =	sdelay $0x2  }
0x35: {  	[tilespmem:s18+$0xFFFFFFD0] =	vst v5  }
0x36: {  	v56 =	vld.idx.msk [tilespmem:v0+s17+$0x30 ss:$0x1], $0xffff;
	[tilespmem:s18+$0xFFFFFFE0] =	vst v4  }
0x37: {  	v57 =	vld.idx.msk [tilespmem:v0+s17+$0xFFFFFFC0 ss:$0x1], $0xffff;
	[tilespmem:s18+$0xFFFFFFF0] =	vst v3  }
0x38: {  	v58 =	vld.idx.msk [tilespmem:v0+s17+$0xFFFFFFD0 ss:$0x1], $0xffff;
	[tilespmem:s18+$0x0] =	vst v1  }
0x39: {  	v59 =	vld.idx.msk [tilespmem:v0+s17+$0xFFFFFFE0 ss:$0x1], $0xffff;
	[tilespmem:s18+$0x10] =	vst v2  }
0x3a: {  	v60 =	vld.idx.msk [tilespmem:v0+s17+$0xFFFFFFF0 ss:$0x1], $0xffff;
	s31 =	sadd.s32 $0x800, s18;
	[tilespmem:s18+$0x20] =	vst v6  }
0x3b: {  	v61 =	vld.idx.msk [tilespmem:v0+s17+$0x0 ss:$0x1], $0xffff;
	[tilespmem:s31+$0x30] =	vst v56  }
0x3c: {  	v62 =	vld.idx.msk [tilespmem:v0+s17+$0x10 ss:$0x1], $0xffff;
	s16 =	sadd.s32 $0x1, s16;
	[tilespmem:s31+$0xFFFFFFC0] =	vst v57  }
0x3d: {  	v63 =	vld.idx.msk [tilespmem:v0+s17+$0x20 ss:$0x1], $0xffff;
	p1 =	sne.s32 s16, $0x10;
	[tilespmem:s31+$0xFFFFFFD0] =	vst v58  }
.Ltmp4:
0x3e: {  	[tilespmem:s31+$0xFFFFFFE0] =	vst v59;
	(pc) =	sbr.rel @p1 .LBB1_3-.Ltmp4, $4  }
0x3f: {  	[tilespmem:s31+$0xFFFFFFF0] =	vst v60  }
0x40: {  	[tilespmem:s31+$0x0] =	vst v61  }
0x41: {  	[tilespmem:s31+$0x10] =	vst v62  }
0x42: {  	s13 =	sadd.s32 $0x80, s13;
	s15 =	sadd.s32 $0x400, s15;
	[tilespmem:s31+$0x20] =	vst v63  }
.Ltmp5:
0x43: {  	(pc) =	sbr.rel .LBB1_7-.Ltmp5, $4  }
0x44: {  	s12 =	sshll.u32 s12, $0xC;
	s11 =	sshll.u32 s11, $0x4  }
0x45: {  	s11 =	sand.u32 $0x1F0, s11;
	s12 =	sadd.s32 s3, s12  }
0x46: {  	s11 =	sadd.s32 s11, s12  }
0x47: {  	[hbm4b:s11+s6] =	stream.strided.scatter [tilespmem:s14], [sflag:$0x2], $0x4000, s7, s6, $0x38;
	[tilespmem:$0x10000] =	vst v63  }
.LBB1_8:
0x48: {  	_ =	sfence.sel $0x180000  }
0x49: {  	s2 =	simm.s32 $0x1;
	[bflag:$0x0] =	sbarrier.arrive $0xFFFF  }
0x4a: {  	s31 =	simm.s32 $0x2;
	[sflag:s2] =	ssyncpa.u1 $0x1  }
0x4b: {  	[sflag:s31] =	ssyncpa.u1 $0x1  }
0x4c: {  	p0 =	sne.s32 s1, $0x0;
	_ =	strace $0x90000047  }
0x4d: {  	s0 =	sadd.s32 @!p0 $0x100000, s0;
	[bflag:$0x2] =	sbarrier.arrive $0xFFFF  }
0x4e: {  	[sflag:s0] =	ssyncadd.tile.s32 @!p0 $0x1;
	_ =	shalt  }
.Lfunc_end1:
_tile_overlayer_lowered:
.L_overlay_start_2:
0x4f: {  	(tag) =	ssettag $0x2  }
0x50: {  	s0 =	rddreg [dreg:$0x0];
	s2 =	stileid.u32  }
0x51: {  	s1 =	rddreg [dreg:$0x1];
	p0 =	sne.s32 s2, $0x0  }
0x52: {  	s3 =	rddreg [dreg:$0x2];
	[bflag:$0x3] =	sbarrier.arrive $0xFFFF;
	s2 =	simm.s32 @!p0 $0x1C01  }
0x53: {  	[timem:s3], [sflag:s2] =	dma.local @!p0 [hbm:s0], s1  }
0x54: {  	s0 =	simm.s32 @!p0 $0x1  }
0x55: {  	_ =	swait.ge @!p0 [sflag:s0], s1  }
0x56: {  	s1 =	ssub.s32 @!p0 $0x0, s1;
	[sflag:s0] =	ssyncset.done @!p0 $0x0  }
0x57: {  	[sflag:s0] =	ssyncadd.s32 @!p0 s1  }
0x58: {  	[bflag:$0x3] =	sbarrier.arrive $0xFFFF  }
0x59: {  	_ =	shalt  }

</sc_bundles>
